<compile_context>
chip_gen: v7x
topology: tpu7x:2x2x1
jax: 0.10.2.dev20260603
libtpu: 0.0.44.dev20260713+nightly
codegen_flags: <defaults>
</compile_context>

<pallas_src>
import jax
import jax.numpy as jnp
from jax import lax
from jax.experimental import pallas as pl
from jax.experimental.pallas import tpu as pltpu
from jax.experimental.pallas import tpu_sc as plsc

N_FIELDS = 26
KEYS_PER_FIELD = 16
BATCH = 16384
LANES = 16
NUM_CORES = 2
NUM_SUBCORES = 16
NUM_WORKERS = NUM_CORES * NUM_SUBCORES
BCOLS = BATCH // NUM_WORKERS
CVECS = BCOLS // LANES


def _body(xt_hbm, out_hbm, x_v, out_v):
    wid = lax.axis_index("s") * NUM_CORES + lax.axis_index("c")
    base = wid * BCOLS
    pltpu.sync_copy(xt_hbm.at[:, pl.ds(base, BCOLS)], x_v)
    minus1 = jnp.full((LANES,), -1, dtype=jnp.int32)

    @plsc.parallel_loop(0, CVECS)
    def group(g):
        c0 = g * LANES
        for i in range(N_FIELDS):
            sl = pl.ds(c0, LANES)
            xv = x_v[i, sl]
            ok = xv.astype(jnp.uint32) < KEYS_PER_FIELD
            out_v[i, sl] = jnp.where(ok, xv + (i * KEYS_PER_FIELD), minus1)
    pltpu.sync_copy(out_v, out_hbm.at[:, pl.ds(base, BCOLS)])


@jax.jit
def kernel(x):
    run = pl.kernel(
        _body,
        out_type=jax.ShapeDtypeStruct((N_FIELDS, BATCH), jnp.int32),
        mesh=plsc.VectorSubcoreMesh(
            core_axis_name="c", subcore_axis_name="s",
            num_cores=NUM_CORES, num_subcores=NUM_SUBCORES,
        ),
        compiler_params=pltpu.CompilerParams(use_tc_tiling_on_sc=True),
        scratch_types=[
            pltpu.VMEM((N_FIELDS, BCOLS), jnp.int32),
            pltpu.VMEM((N_FIELDS, BCOLS), jnp.int32),
        ],
    )
    return run(x.T).T

# --- scband reference (transcript-rebuilt; emitter-appended) ---
"""Pipeline reference for scband-embedding-encoder-39797166964854 (READ-ONLY COPY).

The authoritative reference and input builder live on the scoring server;
editing this copy changes nothing except your own understanding.
"""

import jax, jax.numpy as jnp
import numpy as np

N_FIELDS = 26
KEYS_PER_FIELD = 16
BATCH = 16384
# Must match init_kwargs expected_inputs literal
EXPECTED_INPUTS = [list(range(KEYS_PER_FIELD)) for _ in range(N_FIELDS)]


def setup_inputs(seed: int = 0) -> dict:
    key = jax.random.key(seed)
    x = jax.random.randint(key, (BATCH, N_FIELDS), 0, KEYS_PER_FIELD, dtype=jnp.int32)
    return {"x": x}


def reference(x):
    # Faithful translation of EmbeddingEncoder.call:
    # per-field StaticHashTable lookup (key -> offset-shifted ordinal value, default -1),
    # then concat along axis 1.
    outs = []
    offset = 0
    for i in range(N_FIELDS):
        keys_i = jnp.asarray(EXPECTED_INPUTS[i], dtype=jnp.int32)
        n_keys = len(EXPECTED_INPUTS[i])
        values_i = jnp.arange(n_keys, dtype=jnp.int32) + offset
        max_key = int(max(EXPECTED_INPUTS[i]))
        # Dense LUT emulating the hash table: default -1 for missing keys.
        lut = jnp.full((max_key + 1,), -1, dtype=jnp.int32).at[keys_i].set(values_i)
        xi = x[:, i]
        in_range = (xi >= 0) & (xi <= max_key)
        looked = jnp.take(lut, jnp.clip(xi, 0, max_key), axis=0)
        outs.append(jnp.where(in_range, looked, jnp.int32(-1))[:, None])
        offset += n_keys
    return jnp.concatenate(outs, axis=1)

if __name__ == "__main__":
    import jax
    _d = setup_inputs()
    print(jax.jit(kernel)(*tuple(_d.values())))

</pallas_src>

<mosaic_0001>
#map = affine_map<(d0, d1) -> (0, 0)>
module attributes {stable_mosaic.version = 14 : i64} {
  func.func @_body(%arg0: i32, %arg1: i32, %arg2: memref<26x16384xi32, #tpu.memory_space<hbm>>, %arg3: memref<26x16384xi32, #tpu.memory_space<hbm>>, %arg4: memref<26x512xi32, #tpu.memory_space<vmem>>, %arg5: memref<26x512xi32, #tpu.memory_space<vmem>>) attributes {dimension_semantics = [#tpu.dimension_semantics<core_parallel>, #tpu.dimension_semantics<subcore_parallel>], iteration_bounds = array<i64: 2, 16>, scalar_prefetch = 0 : i64, scratch_operands = 2 : i64, tpu.core_type = #tpu.core_type<sc_vector_subcore>, window_params = [{transform_indices = #map}, {transform_indices = #map}]} {
    %mul3A = arith.constant 2 : i32
    %mul3A_0 = arith.muli %arg1, %mul3A : i32
    %add3A = arith.addi %mul3A_0, %arg0 : i32
    %mul3A_1 = arith.constant 512 : i32
    %mul3A_2 = arith.muli %add3A, %mul3A_1 : i32
    "tpu.region"() ({
      %run_scoped3A = tpu.sem_alloc : memref<!tpu.dma_semaphore, #tpu.memory_space<semaphore_mem>>
      %dma_start3A = arith.constant 0 : i32
      %dma_start3A_6 = tpu.memref_slice %arg2[%dma_start3A, %mul3A_2] : memref<26x16384xi32, #tpu.memory_space<hbm>> -> memref<26x512xi32, #tpu.memory_space<hbm>>
      %dma_start3A_7 = arith.constant 0 : i32
      %dma_start3A_8 = tpu.memref_slice %arg2[%dma_start3A_7, %mul3A_2] : memref<26x16384xi32, #tpu.memory_space<hbm>> -> memref<26x512xi32, #tpu.memory_space<hbm>>
      tpu.enqueue_dma source(%dma_start3A_8 : memref<26x512xi32, #tpu.memory_space<hbm>>) target(%arg4 : memref<26x512xi32, #tpu.memory_space<vmem>>) target_semaphore(%run_scoped3A : memref<!tpu.dma_semaphore, #tpu.memory_space<semaphore_mem>>)
      %dma_wait3A = arith.constant 0 : i32
      %dma_wait3A_9 = tpu.memref_slice %arg2[%dma_wait3A, %mul3A_2] : memref<26x16384xi32, #tpu.memory_space<hbm>> -> memref<26x512xi32, #tpu.memory_space<hbm>>
      %dma_wait3A_10 = arith.constant 0 : i32
      %dma_wait3A_11 = tpu.memref_slice %arg2[%dma_wait3A_10, %mul3A_2] : memref<26x16384xi32, #tpu.memory_space<hbm>> -> memref<26x512xi32, #tpu.memory_space<hbm>>
      tpu.wait_dma2 semaphore(%run_scoped3A : memref<!tpu.dma_semaphore, #tpu.memory_space<semaphore_mem>>) src(%dma_wait3A_11 : memref<26x512xi32, #tpu.memory_space<hbm>>) dst(%arg4 : memref<26x512xi32, #tpu.memory_space<vmem>>)
      tpu.yield
    }) : () -> ()
    %broadcast_in_dim3A = arith.constant -1 : i32
    %broadcast_in_dim3A_3 = vector.broadcast %broadcast_in_dim3A : i32 to vector<16xi32>
    %parallel_loop3A = arith.constant 0 : i32
    %parallel_loop3A_4 = arith.constant 32 : i32
    %parallel_loop3A_5 = arith.constant 1 : i32
    scf.for %parallel_loop3A_6 = %parallel_loop3A to %parallel_loop3A_4 step %parallel_loop3A_5  : i32 {
      %parallel_loop3A_7 = arith.constant 16 : i32
      %parallel_loop3A_8 = arith.muli %parallel_loop3A_6, %parallel_loop3A_7 : i32
      %parallel_loop3A_9 = arith.constant 0 : i32
      %parallel_loop3A_10 = arith.index_cast %parallel_loop3A_9 : i32 to index
      %parallel_loop3A_11 = arith.index_cast %parallel_loop3A_8 : i32 to index
      %parallel_loop3A_12 = tpu.vector_load %arg4[%parallel_loop3A_10, %parallel_loop3A_11] {strides = array<i32>} : memref<26x512xi32, #tpu.memory_space<vmem>>, vector<1x16xi32>,
      %parallel_loop3A_13 = vector.shape_cast %parallel_loop3A_12 : vector<1x16xi32> to vector<16xi32>
      %parallel_loop3A_14 = arith.constant 16 : i32
      %parallel_loop3A_15 = vector.broadcast %parallel_loop3A_14 : i32 to vector<16xi32>
      %parallel_loop3A_16 = arith.cmpi ult, %parallel_loop3A_13, %parallel_loop3A_15 : vector<16xi32>
      %parallel_loop3A_17 = arith.constant 0 : i32
      %parallel_loop3A_18 = vector.broadcast %parallel_loop3A_17 : i32 to vector<16xi32>
      %parallel_loop3A_19 = arith.addi %parallel_loop3A_13, %parallel_loop3A_18 : vector<16xi32>
      %parallel_loop3A_20 = arith.select %parallel_loop3A_16, %parallel_loop3A_19, %broadcast_in_dim3A_3 : vector<16xi1>, vector<16xi32>
      %parallel_loop3A_21 = arith.constant 0 : i32
      %parallel_loop3A_22 = arith.index_cast %parallel_loop3A_21 : i32 to index
      %parallel_loop3A_23 = arith.index_cast %parallel_loop3A_8 : i32 to index
      %parallel_loop3A_24 = tpu.vector_load %arg5[%parallel_loop3A_22, %parallel_loop3A_23] {strides = array<i32>} : memref<26x512xi32, #tpu.memory_space<vmem>>, vector<1x16xi32>,
      %parallel_loop3A_25 = vector.shape_cast %parallel_loop3A_24 : vector<1x16xi32> to vector<16xi32>
      %parallel_loop3A_26 = vector.shape_cast %parallel_loop3A_20 : vector<16xi32> to vector<1x16xi32>
      tpu.vector_store %arg5[%parallel_loop3A_22, %parallel_loop3A_23], %parallel_loop3A_26 {strides = array<i32>} : memref<26x512xi32, #tpu.memory_space<vmem>>, vector<1x16xi32>,
      %parallel_loop3A_27 = arith.constant 1 : i32
      %parallel_loop3A_28 = arith.index_cast %parallel_loop3A_27 : i32 to index
      %parallel_loop3A_29 = arith.index_cast %parallel_loop3A_8 : i32 to index
      %parallel_loop3A_30 = tpu.vector_load %arg4[%parallel_loop3A_28, %parallel_loop3A_29] {strides = array<i32>} : memref<26x512xi32, #tpu.memory_space<vmem>>, vector<1x16xi32>,
      %parallel_loop3A_31 = vector.shape_cast %parallel_loop3A_30 : vector<1x16xi32> to vector<16xi32>
      %parallel_loop3A_32 = arith.constant 16 : i32
      %parallel_loop3A_33 = vector.broadcast %parallel_loop3A_32 : i32 to vector<16xi32>
      %parallel_loop3A_34 = arith.cmpi ult, %parallel_loop3A_31, %parallel_loop3A_33 : vector<16xi32>
      %parallel_loop3A_35 = arith.constant 16 : i32
      %parallel_loop3A_36 = vector.broadcast %parallel_loop3A_35 : i32 to vector<16xi32>
      %parallel_loop3A_37 = arith.addi %parallel_loop3A_31, %parallel_loop3A_36 : vector<16xi32>
      %parallel_loop3A_38 = arith.select %parallel_loop3A_34, %parallel_loop3A_37, %broadcast_in_dim3A_3 : vector<16xi1>, vector<16xi32>
      %parallel_loop3A_39 = arith.constant 1 : i32
      %parallel_loop3A_40 = arith.index_cast %parallel_loop3A_39 : i32 to index
      %parallel_loop3A_41 = arith.index_cast %parallel_loop3A_8 : i32 to index
      %parallel_loop3A_42 = tpu.vector_load %arg5[%parallel_loop3A_40, %parallel_loop3A_41] {strides = array<i32>} : memref<26x512xi32, #tpu.memory_space<vmem>>, vector<1x16xi32>,
      %parallel_loop3A_43 = vector.shape_cast %parallel_loop3A_42 : vector<1x16xi32> to vector<16xi32>
      %parallel_loop3A_44 = vector.shape_cast %parallel_loop3A_38 : vector<16xi32> to vector<1x16xi32>
      tpu.vector_store %arg5[%parallel_loop3A_40, %parallel_loop3A_41], %parallel_loop3A_44 {strides = array<i32>} : memref<26x512xi32, #tpu.memory_space<vmem>>, vector<1x16xi32>,
      %parallel_loop3A_45 = arith.constant 2 : i32
      %parallel_loop3A_46 = arith.index_cast %parallel_loop3A_45 : i32 to index
      %parallel_loop3A_47 = arith.index_cast %parallel_loop3A_8 : i32 to index
      %parallel_loop3A_48 = tpu.vector_load %arg4[%parallel_loop3A_46, %parallel_loop3A_47] {strides = array<i32>} : memref<26x512xi32, #tpu.memory_space<vmem>>, vector<1x16xi32>,
      %parallel_loop3A_49 = vector.shape_cast %parallel_loop3A_48 : vector<1x16xi32> to vector<16xi32>
      %parallel_loop3A_50 = arith.constant 16 : i32
      %parallel_loop3A_51 = vector.broadcast %parallel_loop3A_50 : i32 to vector<16xi32>
      %parallel_loop3A_52 = arith.cmpi ult, %parallel_loop3A_49, %parallel_loop3A_51 : vector<16xi32>
      %parallel_loop3A_53 = arith.constant 32 : i32
      %parallel_loop3A_54 = vector.broadcast %parallel_loop3A_53 : i32 to vector<16xi32>
      %parallel_loop3A_55 = arith.addi %parallel_loop3A_49, %parallel_loop3A_54 : vector<16xi32>
      %parallel_loop3A_56 = arith.select %parallel_loop3A_52, %parallel_loop3A_55, %broadcast_in_dim3A_3 : vector<16xi1>, vector<16xi32>
      %parallel_loop3A_57 = arith.constant 2 : i32
      %parallel_loop3A_58 = arith.index_cast %parallel_loop3A_57 : i32 to index
      %parallel_loop3A_59 = arith.index_cast %parallel_loop3A_8 : i32 to index
      %parallel_loop3A_60 = tpu.vector_load %arg5[%parallel_loop3A_58, %parallel_loop3A_59] {strides = array<i32>} : memref<26x512xi32, #tpu.memory_space<vmem>>, vector<1x16xi32>,
      %parallel_loop3A_61 = vector.shape_cast %parallel_loop3A_60 : vector<1x16xi32> to vector<16xi32>
      %parallel_loop3A_62 = vector.shape_cast %parallel_loop3A_56 : vector<16xi32> to vector<1x16xi32>
      tpu.vector_store %arg5[%parallel_loop3A_58, %parallel_loop3A_59], %parallel_loop3A_62 {strides = array<i32>} : memref<26x512xi32, #tpu.memory_space<vmem>>, vector<1x16xi32>,
      %parallel_loop3A_63 = arith.constant 3 : i32
      %parallel_loop3A_64 = arith.index_cast %parallel_loop3A_63 : i32 to index
      %parallel_loop3A_65 = arith.index_cast %parallel_loop3A_8 : i32 to index
      %parallel_loop3A_66 = tpu.vector_load %arg4[%parallel_loop3A_64, %parallel_loop3A_65] {strides = array<i32>} : memref<26x512xi32, #tpu.memory_space<vmem>>, vector<1x16xi32>,
      %parallel_loop3A_67 = vector.shape_cast %parallel_loop3A_66 : vector<1x16xi32> to vector<16xi32>
      %parallel_loop3A_68 = arith.constant 16 : i32
      %parallel_loop3A_69 = vector.broadcast %parallel_loop3A_68 : i32 to vector<16xi32>
      %parallel_loop3A_70 = arith.cmpi ult, %parallel_loop3A_67, %parallel_loop3A_69 : vector<16xi32>
      %parallel_loop3A_71 = arith.constant 48 : i32
      %parallel_loop3A_72 = vector.broadcast %parallel_loop3A_71 : i32 to vector<16xi32>
      %parallel_loop3A_73 = arith.addi %parallel_loop3A_67, %parallel_loop3A_72 : vector<16xi32>
      %parallel_loop3A_74 = arith.select %parallel_loop3A_70, %parallel_loop3A_73, %broadcast_in_dim3A_3 : vector<16xi1>, vector<16xi32>
      %parallel_loop3A_75 = arith.constant 3 : i32
      %parallel_loop3A_76 = arith.index_cast %parallel_loop3A_75 : i32 to index
      %parallel_loop3A_77 = arith.index_cast %parallel_loop3A_8 : i32 to index
      %parallel_loop3A_78 = tpu.vector_load %arg5[%parallel_loop3A_76, %parallel_loop3A_77] {strides = array<i32>} : memref<26x512xi32, #tpu.memory_space<vmem>>, vector<1x16xi32>,
      %parallel_loop3A_79 = vector.shape_cast %parallel_loop3A_78 : vector<1x16xi32> to vector<16xi32>
      %parallel_loop3A_80 = vector.shape_cast %parallel_loop3A_74 : vector<16xi32> to vector<1x16xi32>
      tpu.vector_store %arg5[%parallel_loop3A_76, %parallel_loop3A_77], %parallel_loop3A_80 {strides = array<i32>} : memref<26x512xi32, #tpu.memory_space<vmem>>, vector<1x16xi32>,
      %parallel_loop3A_81 = arith.constant 4 : i32
      %parallel_loop3A_82 = arith.index_cast %parallel_loop3A_81 : i32 to index
      %parallel_loop3A_83 = arith.index_cast %parallel_loop3A_8 : i32 to index
      %parallel_loop3A_84 = tpu.vector_load %arg4[%parallel_loop3A_82, %parallel_loop3A_83] {strides = array<i32>} : memref<26x512xi32, #tpu.memory_space<vmem>>, vector<1x16xi32>,
      %parallel_loop3A_85 = vector.shape_cast %parallel_loop3A_84 : vector<1x16xi32> to vector<16xi32>
      %parallel_loop3A_86 = arith.constant 16 : i32
      %parallel_loop3A_87 = vector.broadcast %parallel_loop3A_86 : i32 to vector<16xi32>
      %parallel_loop3A_88 = arith.cmpi ult, %parallel_loop3A_85, %parallel_loop3A_87 : vector<16xi32>
      %parallel_loop3A_89 = arith.constant 64 : i32
      %parallel_loop3A_90 = vector.broadcast %parallel_loop3A_89 : i32 to vector<16xi32>
      %parallel_loop3A_91 = arith.addi %parallel_loop3A_85, %parallel_loop3A_90 : vector<16xi32>
      %parallel_loop3A_92 = arith.select %parallel_loop3A_88, %parallel_loop3A_91, %broadcast_in_dim3A_3 : vector<16xi1>, vector<16xi32>
      %parallel_loop3A_93 = arith.constant 4 : i32
      %parallel_loop3A_94 = arith.index_cast %parallel_loop3A_93 : i32 to index
      %parallel_loop3A_95 = arith.index_cast %parallel_loop3A_8 : i32 to index
      %parallel_loop3A_96 = tpu.vector_load %arg5[%parallel_loop3A_94, %parallel_loop3A_95] {strides = array<i32>} : memref<26x512xi32, #tpu.memory_space<vmem>>, vector<1x16xi32>,
      %parallel_loop3A_97 = vector.shape_cast %parallel_loop3A_96 : vector<1x16xi32> to vector<16xi32>
      %parallel_loop3A_98 = vector.shape_cast %parallel_loop3A_92 : vector<16xi32> to vector<1x16xi32>
      tpu.vector_store %arg5[%parallel_loop3A_94, %parallel_loop3A_95], %parallel_loop3A_98 {strides = array<i32>} : memref<26x512xi32, #tpu.memory_space<vmem>>, vector<1x16xi32>,
      %parallel_loop3A_99 = arith.constant 5 : i32
      %parallel_loop3A_100 = arith.index_cast %parallel_loop3A_99 : i32 to index
      %parallel_loop3A_101 = arith.index_cast %parallel_loop3A_8 : i32 to index
      %parallel_loop3A_102 = tpu.vector_load %arg4[%parallel_loop3A_100, %parallel_loop3A_101] {strides = array<i32>} : memref<26x512xi32, #tpu.memory_space<vmem>>, vector<1x16xi32>,
      %parallel_loop3A_103 = vector.shape_cast %parallel_loop3A_102 : vector<1x16xi32> to vector<16xi32>
      %parallel_loop3A_104 = arith.constant 16 : i32
      %parallel_loop3A_105 = vector.broadcast %parallel_loop3A_104 : i32 to vector<16xi32>
      %parallel_loop3A_106 = arith.cmpi ult, %parallel_loop3A_103, %parallel_loop3A_105 : vector<16xi32>
      %parallel_loop3A_107 = arith.constant 80 : i32
      %parallel_loop3A_108 = vector.broadcast %parallel_loop3A_107 : i32 to vector<16xi32>
      %parallel_loop3A_109 = arith.addi %parallel_loop3A_103, %parallel_loop3A_108 : vector<16xi32>
      %parallel_loop3A_110 = arith.select %parallel_loop3A_106, %parallel_loop3A_109, %broadcast_in_dim3A_3 : vector<16xi1>, vector<16xi32>
      %parallel_loop3A_111 = arith.constant 5 : i32
      %parallel_loop3A_112 = arith.index_cast %parallel_loop3A_111 : i32 to index
      %parallel_loop3A_113 = arith.index_cast %parallel_loop3A_8 : i32 to index
      %parallel_loop3A_114 = tpu.vector_load %arg5[%parallel_loop3A_112, %parallel_loop3A_113] {strides = array<i32>} : memref<26x512xi32, #tpu.memory_space<vmem>>, vector<1x16xi32>,
      %parallel_loop3A_115 = vector.shape_cast %parallel_loop3A_114 : vector<1x16xi32> to vector<16xi32>
      %parallel_loop3A_116 = vector.shape_cast %parallel_loop3A_110 : vector<16xi32> to vector<1x16xi32>
      tpu.vector_store %arg5[%parallel_loop3A_112, %parallel_loop3A_113], %parallel_loop3A_116 {strides = array<i32>} : memref<26x512xi32, #tpu.memory_space<vmem>>, vector<1x16xi32>,
      %parallel_loop3A_117 = arith.constant 6 : i32
      %parallel_loop3A_118 = arith.index_cast %parallel_loop3A_117 : i32 to index
      %parallel_loop3A_119 = arith.index_cast %parallel_loop3A_8 : i32 to index
      %parallel_loop3A_120 = tpu.vector_load %arg4[%parallel_loop3A_118, %parallel_loop3A_119] {strides = array<i32>} : memref<26x512xi32, #tpu.memory_space<vmem>>, vector<1x16xi32>,
      %parallel_loop3A_121 = vector.shape_cast %parallel_loop3A_120 : vector<1x16xi32> to vector<16xi32>
      %parallel_loop3A_122 = arith.constant 16 : i32
      %parallel_loop3A_123 = vector.broadcast %parallel_loop3A_122 : i32 to vector<16xi32>
      %parallel_loop3A_124 = arith.cmpi ult, %parallel_loop3A_121, %parallel_loop3A_123 : vector<16xi32>
      %parallel_loop3A_125 = arith.constant 96 : i32
      %parallel_loop3A_126 = vector.broadcast %parallel_loop3A_125 : i32 to vector<16xi32>
      %parallel_loop3A_127 = arith.addi %parallel_loop3A_121, %parallel_loop3A_126 : vector<16xi32>
      %parallel_loop3A_128 = arith.select %parallel_loop3A_124, %parallel_loop3A_127, %broadcast_in_dim3A_3 : vector<16xi1>, vector<16xi32>
      %parallel_loop3A_129 = arith.constant 6 : i32
      %parallel_loop3A_130 = arith.index_cast %parallel_loop3A_129 : i32 to index
      %parallel_loop3A_131 = arith.index_cast %parallel_loop3A_8 : i32 to index
      %parallel_loop3A_132 = tpu.vector_load %arg5[%parallel_loop3A_130, %parallel_loop3A_131] {strides = array<i32>} : memref<26x512xi32, #tpu.memory_space<vmem>>, vector<1x16xi32>,
      %parallel_loop3A_133 = vector.shape_cast %parallel_loop3A_132 : vector<1x16xi32> to vector<16xi32>
      %parallel_loop3A_134 = vector.shape_cast %parallel_loop3A_128 : vector<16xi32> to vector<1x16xi32>
      tpu.vector_store %arg5[%parallel_loop3A_130, %parallel_loop3A_131], %parallel_loop3A_134 {strides = array<i32>} : memref<26x512xi32, #tpu.memory_space<vmem>>, vector<1x16xi32>,
      %parallel_loop3A_135 = arith.constant 7 : i32
      %parallel_loop3A_136 = arith.index_cast %parallel_loop3A_135 : i32 to index
      %parallel_loop3A_137 = arith.index_cast %parallel_loop3A_8 : i32 to index
      %parallel_loop3A_138 = tpu.vector_load %arg4[%parallel_loop3A_136, %parallel_loop3A_137] {strides = array<i32>} : memref<26x512xi32, #tpu.memory_space<vmem>>, vector<1x16xi32>,
      %parallel_loop3A_139 = vector.shape_cast %parallel_loop3A_138 : vector<1x16xi32> to vector<16xi32>
      %parallel_loop3A_140 = arith.constant 16 : i32
      %parallel_loop3A_141 = vector.broadcast %parallel_loop3A_140 : i32 to vector<16xi32>
      %parallel_loop3A_142 = arith.cmpi ult, %parallel_loop3A_139, %parallel_loop3A_141 : vector<16xi32>
      %parallel_loop3A_143 = arith.constant 112 : i32
      %parallel_loop3A_144 = vector.broadcast %parallel_loop3A_143 : i32 to vector<16xi32>
      %parallel_loop3A_145 = arith.addi %parallel_loop3A_139, %parallel_loop3A_144 : vector<16xi32>
      %parallel_loop3A_146 = arith.select %parallel_loop3A_142, %parallel_loop3A_145, %broadcast_in_dim3A_3 : vector<16xi1>, vector<16xi32>
      %parallel_loop3A_147 = arith.constant 7 : i32
      %parallel_loop3A_148 = arith.index_cast %parallel_loop3A_147 : i32 to index
      %parallel_loop3A_149 = arith.index_cast %parallel_loop3A_8 : i32 to index
      %parallel_loop3A_150 = tpu.vector_load %arg5[%parallel_loop3A_148, %parallel_loop3A_149] {strides = array<i32>} : memref<26x512xi32, #tpu.memory_space<vmem>>, vector<1x16xi32>,
      %parallel_loop3A_151 = vector.shape_cast %parallel_loop3A_150 : vector<1x16xi32> to vector<16xi32>
      %parallel_loop3A_152 = vector.shape_cast %parallel_loop3A_146 : vector<16xi32> to vector<1x16xi32>
      tpu.vector_store %arg5[%parallel_loop3A_148, %parallel_loop3A_149], %parallel_loop3A_152 {strides = array<i32>} : memref<26x512xi32, #tpu.memory_space<vmem>>, vector<1x16xi32>,
      %parallel_loop3A_153 = arith.constant 8 : i32
      %parallel_loop3A_154 = arith.index_cast %parallel_loop3A_153 : i32 to index
      %parallel_loop3A_155 = arith.index_cast %parallel_loop3A_8 : i32 to index
      %parallel_loop3A_156 = tpu.vector_load %arg4[%parallel_loop3A_154, %parallel_loop3A_155] {strides = array<i32>} : memref<26x512xi32, #tpu.memory_space<vmem>>, vector<1x16xi32>,
      %parallel_loop3A_157 = vector.shape_cast %parallel_loop3A_156 : vector<1x16xi32> to vector<16xi32>
      %parallel_loop3A_158 = arith.constant 16 : i32
      %parallel_loop3A_159 = vector.broadcast %parallel_loop3A_158 : i32 to vector<16xi32>
      %parallel_loop3A_160 = arith.cmpi ult, %parallel_loop3A_157, %parallel_loop3A_159 : vector<16xi32>
      %parallel_loop3A_161 = arith.constant 128 : i32
      %parallel_loop3A_162 = vector.broadcast %parallel_loop3A_161 : i32 to vector<16xi32>
      %parallel_loop3A_163 = arith.addi %parallel_loop3A_157, %parallel_loop3A_162 : vector<16xi32>
      %parallel_loop3A_164 = arith.select %parallel_loop3A_160, %parallel_loop3A_163, %broadcast_in_dim3A_3 : vector<16xi1>, vector<16xi32>
      %parallel_loop3A_165 = arith.constant 8 : i32
      %parallel_loop3A_166 = arith.index_cast %parallel_loop3A_165 : i32 to index
      %parallel_loop3A_167 = arith.index_cast %parallel_loop3A_8 : i32 to index
      %parallel_loop3A_168 = tpu.vector_load %arg5[%parallel_loop3A_166, %parallel_loop3A_167] {strides = array<i32>} : memref<26x512xi32, #tpu.memory_space<vmem>>, vector<1x16xi32>,
      %parallel_loop3A_169 = vector.shape_cast %parallel_loop3A_168 : vector<1x16xi32> to vector<16xi32>
      %parallel_loop3A_170 = vector.shape_cast %parallel_loop3A_164 : vector<16xi32> to vector<1x16xi32>
      tpu.vector_store %arg5[%parallel_loop3A_166, %parallel_loop3A_167], %parallel_loop3A_170 {strides = array<i32>} : memref<26x512xi32, #tpu.memory_space<vmem>>, vector<1x16xi32>,
      %parallel_loop3A_171 = arith.constant 9 : i32
      %parallel_loop3A_172 = arith.index_cast %parallel_loop3A_171 : i32 to index
      %parallel_loop3A_173 = arith.index_cast %parallel_loop3A_8 : i32 to index
      %parallel_loop3A_174 = tpu.vector_load %arg4[%parallel_loop3A_172, %parallel_loop3A_173] {strides = array<i32>} : memref<26x512xi32, #tpu.memory_space<vmem>>, vector<1x16xi32>,
      %parallel_loop3A_175 = vector.shape_cast %parallel_loop3A_174 : vector<1x16xi32> to vector<16xi32>
      %parallel_loop3A_176 = arith.constant 16 : i32
      %parallel_loop3A_177 = vector.broadcast %parallel_loop3A_176 : i32 to vector<16xi32>
      %parallel_loop3A_178 = arith.cmpi ult, %parallel_loop3A_175, %parallel_loop3A_177 : vector<16xi32>
      %parallel_loop3A_179 = arith.constant 144 : i32
      %parallel_loop3A_180 = vector.broadcast %parallel_loop3A_179 : i32 to vector<16xi32>
      %parallel_loop3A_181 = arith.addi %parallel_loop3A_175, %parallel_loop3A_180 : vector<16xi32>
      %parallel_loop3A_182 = arith.select %parallel_loop3A_178, %parallel_loop3A_181, %broadcast_in_dim3A_3 : vector<16xi1>, vector<16xi32>
      %parallel_loop3A_183 = arith.constant 9 : i32
      %parallel_loop3A_184 = arith.index_cast %parallel_loop3A_183 : i32 to index
      %parallel_loop3A_185 = arith.index_cast %parallel_loop3A_8 : i32 to index
      %parallel_loop3A_186 = tpu.vector_load %arg5[%parallel_loop3A_184, %parallel_loop3A_185] {strides = array<i32>} : memref<26x512xi32, #tpu.memory_space<vmem>>, vector<1x16xi32>,
      %parallel_loop3A_187 = vector.shape_cast %parallel_loop3A_186 : vector<1x16xi32> to vector<16xi32>
      %parallel_loop3A_188 = vector.shape_cast %parallel_loop3A_182 : vector<16xi32> to vector<1x16xi32>
      tpu.vector_store %arg5[%parallel_loop3A_184, %parallel_loop3A_185], %parallel_loop3A_188 {strides = array<i32>} : memref<26x512xi32, #tpu.memory_space<vmem>>, vector<1x16xi32>,
      %parallel_loop3A_189 = arith.constant 10 : i32
      %parallel_loop3A_190 = arith.index_cast %parallel_loop3A_189 : i32 to index
      %parallel_loop3A_191 = arith.index_cast %parallel_loop3A_8 : i32 to index
      %parallel_loop3A_192 = tpu.vector_load %arg4[%parallel_loop3A_190, %parallel_loop3A_191] {strides = array<i32>} : memref<26x512xi32, #tpu.memory_space<vmem>>, vector<1x16xi32>,
      %parallel_loop3A_193 = vector.shape_cast %parallel_loop3A_192 : vector<1x16xi32> to vector<16xi32>
      %parallel_loop3A_194 = arith.constant 16 : i32
      %parallel_loop3A_195 = vector.broadcast %parallel_loop3A_194 : i32 to vector<16xi32>
      %parallel_loop3A_196 = arith.cmpi ult, %parallel_loop3A_193, %parallel_loop3A_195 : vector<16xi32>
      %parallel_loop3A_197 = arith.constant 160 : i32
      %parallel_loop3A_198 = vector.broadcast %parallel_loop3A_197 : i32 to vector<16xi32>
      %parallel_loop3A_199 = arith.addi %parallel_loop3A_193, %parallel_loop3A_198 : vector<16xi32>
      %parallel_loop3A_200 = arith.select %parallel_loop3A_196, %parallel_loop3A_199, %broadcast_in_dim3A_3 : vector<16xi1>, vector<16xi32>
      %parallel_loop3A_201 = arith.constant 10 : i32
      %parallel_loop3A_202 = arith.index_cast %parallel_loop3A_201 : i32 to index
      %parallel_loop3A_203 = arith.index_cast %parallel_loop3A_8 : i32 to index
      %parallel_loop3A_204 = tpu.vector_load %arg5[%parallel_loop3A_202, %parallel_loop3A_203] {strides = array<i32>} : memref<26x512xi32, #tpu.memory_space<vmem>>, vector<1x16xi32>,
      %parallel_loop3A_205 = vector.shape_cast %parallel_loop3A_204 : vector<1x16xi32> to vector<16xi32>
      %parallel_loop3A_206 = vector.shape_cast %parallel_loop3A_200 : vector<16xi32> to vector<1x16xi32>
      tpu.vector_store %arg5[%parallel_loop3A_202, %parallel_loop3A_203], %parallel_loop3A_206 {strides = array<i32>} : memref<26x512xi32, #tpu.memory_space<vmem>>, vector<1x16xi32>,
      %parallel_loop3A_207 = arith.constant 11 : i32
      %parallel_loop3A_208 = arith.index_cast %parallel_loop3A_207 : i32 to index
      %parallel_loop3A_209 = arith.index_cast %parallel_loop3A_8 : i32 to index
      %parallel_loop3A_210 = tpu.vector_load %arg4[%parallel_loop3A_208, %parallel_loop3A_209] {strides = array<i32>} : memref<26x512xi32, #tpu.memory_space<vmem>>, vector<1x16xi32>,
      %parallel_loop3A_211 = vector.shape_cast %parallel_loop3A_210 : vector<1x16xi32> to vector<16xi32>
      %parallel_loop3A_212 = arith.constant 16 : i32
      %parallel_loop3A_213 = vector.broadcast %parallel_loop3A_212 : i32 to vector<16xi32>
      %parallel_loop3A_214 = arith.cmpi ult, %parallel_loop3A_211, %parallel_loop3A_213 : vector<16xi32>
      %parallel_loop3A_215 = arith.constant 176 : i32
      %parallel_loop3A_216 = vector.broadcast %parallel_loop3A_215 : i32 to vector<16xi32>
      %parallel_loop3A_217 = arith.addi %parallel_loop3A_211, %parallel_loop3A_216 : vector<16xi32>
      %parallel_loop3A_218 = arith.select %parallel_loop3A_214, %parallel_loop3A_217, %broadcast_in_dim3A_3 : vector<16xi1>, vector<16xi32>
      %parallel_loop3A_219 = arith.constant 11 : i32
      %parallel_loop3A_220 = arith.index_cast %parallel_loop3A_219 : i32 to index
      %parallel_loop3A_221 = arith.index_cast %parallel_loop3A_8 : i32 to index
      %parallel_loop3A_222 = tpu.vector_load %arg5[%parallel_loop3A_220, %parallel_loop3A_221] {strides = array<i32>} : memref<26x512xi32, #tpu.memory_space<vmem>>, vector<1x16xi32>,
      %parallel_loop3A_223 = vector.shape_cast %parallel_loop3A_222 : vector<1x16xi32> to vector<16xi32>
      %parallel_loop3A_224 = vector.shape_cast %parallel_loop3A_218 : vector<16xi32> to vector<1x16xi32>
      tpu.vector_store %arg5[%parallel_loop3A_220, %parallel_loop3A_221], %parallel_loop3A_224 {strides = array<i32>} : memref<26x512xi32, #tpu.memory_space<vmem>>, vector<1x16xi32>,
      %parallel_loop3A_225 = arith.constant 12 : i32
      %parallel_loop3A_226 = arith.index_cast %parallel_loop3A_225 : i32 to index
      %parallel_loop3A_227 = arith.index_cast %parallel_loop3A_8 : i32 to index
      %parallel_loop3A_228 = tpu.vector_load %arg4[%parallel_loop3A_226, %parallel_loop3A_227] {strides = array<i32>} : memref<26x512xi32, #tpu.memory_space<vmem>>, vector<1x16xi32>,
      %parallel_loop3A_229 = vector.shape_cast %parallel_loop3A_228 : vector<1x16xi32> to vector<16xi32>
      %parallel_loop3A_230 = arith.constant 16 : i32
      %parallel_loop3A_231 = vector.broadcast %parallel_loop3A_230 : i32 to vector<16xi32>
      %parallel_loop3A_232 = arith.cmpi ult, %parallel_loop3A_229, %parallel_loop3A_231 : vector<16xi32>
      %parallel_loop3A_233 = arith.constant 192 : i32
      %parallel_loop3A_234 = vector.broadcast %parallel_loop3A_233 : i32 to vector<16xi32>
      %parallel_loop3A_235 = arith.addi %parallel_loop3A_229, %parallel_loop3A_234 : vector<16xi32>
      %parallel_loop3A_236 = arith.select %parallel_loop3A_232, %parallel_loop3A_235, %broadcast_in_dim3A_3 : vector<16xi1>, vector<16xi32>
      %parallel_loop3A_237 = arith.constant 12 : i32
      %parallel_loop3A_238 = arith.index_cast %parallel_loop3A_237 : i32 to index
      %parallel_loop3A_239 = arith.index_cast %parallel_loop3A_8 : i32 to index
      %parallel_loop3A_240 = tpu.vector_load %arg5[%parallel_loop3A_238, %parallel_loop3A_239] {strides = array<i32>} : memref<26x512xi32, #tpu.memory_space<vmem>>, vector<1x16xi32>,
      %parallel_loop3A_241 = vector.shape_cast %parallel_loop3A_240 : vector<1x16xi32> to vector<16xi32>
      %parallel_loop3A_242 = vector.shape_cast %parallel_loop3A_236 : vector<16xi32> to vector<1x16xi32>
      tpu.vector_store %arg5[%parallel_loop3A_238, %parallel_loop3A_239], %parallel_loop3A_242 {strides = array<i32>} : memref<26x512xi32, #tpu.memory_space<vmem>>, vector<1x16xi32>,
      %parallel_loop3A_243 = arith.constant 13 : i32
      %parallel_loop3A_244 = arith.index_cast %parallel_loop3A_243 : i32 to index
      %parallel_loop3A_245 = arith.index_cast %parallel_loop3A_8 : i32 to index
      %parallel_loop3A_246 = tpu.vector_load %arg4[%parallel_loop3A_244, %parallel_loop3A_245] {strides = array<i32>} : memref<26x512xi32, #tpu.memory_space<vmem>>, vector<1x16xi32>,
      %parallel_loop3A_247 = vector.shape_cast %parallel_loop3A_246 : vector<1x16xi32> to vector<16xi32>
      %parallel_loop3A_248 = arith.constant 16 : i32
      %parallel_loop3A_249 = vector.broadcast %parallel_loop3A_248 : i32 to vector<16xi32>
      %parallel_loop3A_250 = arith.cmpi ult, %parallel_loop3A_247, %parallel_loop3A_249 : vector<16xi32>
      %parallel_loop3A_251 = arith.constant 208 : i32
      %parallel_loop3A_252 = vector.broadcast %parallel_loop3A_251 : i32 to vector<16xi32>
      %parallel_loop3A_253 = arith.addi %parallel_loop3A_247, %parallel_loop3A_252 : vector<16xi32>
      %parallel_loop3A_254 = arith.select %parallel_loop3A_250, %parallel_loop3A_253, %broadcast_in_dim3A_3 : vector<16xi1>, vector<16xi32>
      %parallel_loop3A_255 = arith.constant 13 : i32
      %parallel_loop3A_256 = arith.index_cast %parallel_loop3A_255 : i32 to index
      %parallel_loop3A_257 = arith.index_cast %parallel_loop3A_8 : i32 to index
      %parallel_loop3A_258 = tpu.vector_load %arg5[%parallel_loop3A_256, %parallel_loop3A_257] {strides = array<i32>} : memref<26x512xi32, #tpu.memory_space<vmem>>, vector<1x16xi32>,
      %parallel_loop3A_259 = vector.shape_cast %parallel_loop3A_258 : vector<1x16xi32> to vector<16xi32>
      %parallel_loop3A_260 = vector.shape_cast %parallel_loop3A_254 : vector<16xi32> to vector<1x16xi32>
      tpu.vector_store %arg5[%parallel_loop3A_256, %parallel_loop3A_257], %parallel_loop3A_260 {strides = array<i32>} : memref<26x512xi32, #tpu.memory_space<vmem>>, vector<1x16xi32>,
      %parallel_loop3A_261 = arith.constant 14 : i32
      %parallel_loop3A_262 = arith.index_cast %parallel_loop3A_261 : i32 to index
      %parallel_loop3A_263 = arith.index_cast %parallel_loop3A_8 : i32 to index
      %parallel_loop3A_264 = tpu.vector_load %arg4[%parallel_loop3A_262, %parallel_loop3A_263] {strides = array<i32>} : memref<26x512xi32, #tpu.memory_space<vmem>>, vector<1x16xi32>,
      %parallel_loop3A_265 = vector.shape_cast %parallel_loop3A_264 : vector<1x16xi32> to vector<16xi32>
      %parallel_loop3A_266 = arith.constant 16 : i32
      %parallel_loop3A_267 = vector.broadcast %parallel_loop3A_266 : i32 to vector<16xi32>
      %parallel_loop3A_268 = arith.cmpi ult, %parallel_loop3A_265, %parallel_loop3A_267 : vector<16xi32>
      %parallel_loop3A_269 = arith.constant 224 : i32
      %parallel_loop3A_270 = vector.broadcast %parallel_loop3A_269 : i32 to vector<16xi32>
      %parallel_loop3A_271 = arith.addi %parallel_loop3A_265, %parallel_loop3A_270 : vector<16xi32>
      %parallel_loop3A_272 = arith.select %parallel_loop3A_268, %parallel_loop3A_271, %broadcast_in_dim3A_3 : vector<16xi1>, vector<16xi32>
      %parallel_loop3A_273 = arith.constant 14 : i32
      %parallel_loop3A_274 = arith.index_cast %parallel_loop3A_273 : i32 to index
      %parallel_loop3A_275 = arith.index_cast %parallel_loop3A_8 : i32 to index
      %parallel_loop3A_276 = tpu.vector_load %arg5[%parallel_loop3A_274, %parallel_loop3A_275] {strides = array<i32>} : memref<26x512xi32, #tpu.memory_space<vmem>>, vector<1x16xi32>,
      %parallel_loop3A_277 = vector.shape_cast %parallel_loop3A_276 : vector<1x16xi32> to vector<16xi32>
      %parallel_loop3A_278 = vector.shape_cast %parallel_loop3A_272 : vector<16xi32> to vector<1x16xi32>
      tpu.vector_store %arg5[%parallel_loop3A_274, %parallel_loop3A_275], %parallel_loop3A_278 {strides = array<i32>} : memref<26x512xi32, #tpu.memory_space<vmem>>, vector<1x16xi32>,
      %parallel_loop3A_279 = arith.constant 15 : i32
      %parallel_loop3A_280 = arith.index_cast %parallel_loop3A_279 : i32 to index
      %parallel_loop3A_281 = arith.index_cast %parallel_loop3A_8 : i32 to index
      %parallel_loop3A_282 = tpu.vector_load %arg4[%parallel_loop3A_280, %parallel_loop3A_281] {strides = array<i32>} : memref<26x512xi32, #tpu.memory_space<vmem>>, vector<1x16xi32>,
      %parallel_loop3A_283 = vector.shape_cast %parallel_loop3A_282 : vector<1x16xi32> to vector<16xi32>
      %parallel_loop3A_284 = arith.constant 16 : i32
      %parallel_loop3A_285 = vector.broadcast %parallel_loop3A_284 : i32 to vector<16xi32>
      %parallel_loop3A_286 = arith.cmpi ult, %parallel_loop3A_283, %parallel_loop3A_285 : vector<16xi32>
      %parallel_loop3A_287 = arith.constant 240 : i32
      %parallel_loop3A_288 = vector.broadcast %parallel_loop3A_287 : i32 to vector<16xi32>
      %parallel_loop3A_289 = arith.addi %parallel_loop3A_283, %parallel_loop3A_288 : vector<16xi32>
      %parallel_loop3A_290 = arith.select %parallel_loop3A_286, %parallel_loop3A_289, %broadcast_in_dim3A_3 : vector<16xi1>, vector<16xi32>
      %parallel_loop3A_291 = arith.constant 15 : i32
      %parallel_loop3A_292 = arith.index_cast %parallel_loop3A_291 : i32 to index
      %parallel_loop3A_293 = arith.index_cast %parallel_loop3A_8 : i32 to index
      %parallel_loop3A_294 = tpu.vector_load %arg5[%parallel_loop3A_292, %parallel_loop3A_293] {strides = array<i32>} : memref<26x512xi32, #tpu.memory_space<vmem>>, vector<1x16xi32>,
      %parallel_loop3A_295 = vector.shape_cast %parallel_loop3A_294 : vector<1x16xi32> to vector<16xi32>
      %parallel_loop3A_296 = vector.shape_cast %parallel_loop3A_290 : vector<16xi32> to vector<1x16xi32>
      tpu.vector_store %arg5[%parallel_loop3A_292, %parallel_loop3A_293], %parallel_loop3A_296 {strides = array<i32>} : memref<26x512xi32, #tpu.memory_space<vmem>>, vector<1x16xi32>,
      %parallel_loop3A_297 = arith.constant 16 : i32
      %parallel_loop3A_298 = arith.index_cast %parallel_loop3A_297 : i32 to index
      %parallel_loop3A_299 = arith.index_cast %parallel_loop3A_8 : i32 to index
      %parallel_loop3A_300 = tpu.vector_load %arg4[%parallel_loop3A_298, %parallel_loop3A_299] {strides = array<i32>} : memref<26x512xi32, #tpu.memory_space<vmem>>, vector<1x16xi32>,
      %parallel_loop3A_301 = vector.shape_cast %parallel_loop3A_300 : vector<1x16xi32> to vector<16xi32>
      %parallel_loop3A_302 = arith.constant 16 : i32
      %parallel_loop3A_303 = vector.broadcast %parallel_loop3A_302 : i32 to vector<16xi32>
      %parallel_loop3A_304 = arith.cmpi ult, %parallel_loop3A_301, %parallel_loop3A_303 : vector<16xi32>
      %parallel_loop3A_305 = arith.constant 256 : i32
      %parallel_loop3A_306 = vector.broadcast %parallel_loop3A_305 : i32 to vector<16xi32>
      %parallel_loop3A_307 = arith.addi %parallel_loop3A_301, %parallel_loop3A_306 : vector<16xi32>
      %parallel_loop3A_308 = arith.select %parallel_loop3A_304, %parallel_loop3A_307, %broadcast_in_dim3A_3 : vector<16xi1>, vector<16xi32>
      %parallel_loop3A_309 = arith.constant 16 : i32
      %parallel_loop3A_310 = arith.index_cast %parallel_loop3A_309 : i32 to index
      %parallel_loop3A_311 = arith.index_cast %parallel_loop3A_8 : i32 to index
      %parallel_loop3A_312 = tpu.vector_load %arg5[%parallel_loop3A_310, %parallel_loop3A_311] {strides = array<i32>} : memref<26x512xi32, #tpu.memory_space<vmem>>, vector<1x16xi32>,
      %parallel_loop3A_313 = vector.shape_cast %parallel_loop3A_312 : vector<1x16xi32> to vector<16xi32>
      %parallel_loop3A_314 = vector.shape_cast %parallel_loop3A_308 : vector<16xi32> to vector<1x16xi32>
      tpu.vector_store %arg5[%parallel_loop3A_310, %parallel_loop3A_311], %parallel_loop3A_314 {strides = array<i32>} : memref<26x512xi32, #tpu.memory_space<vmem>>, vector<1x16xi32>,
      %parallel_loop3A_315 = arith.constant 17 : i32
      %parallel_loop3A_316 = arith.index_cast %parallel_loop3A_315 : i32 to index
      %parallel_loop3A_317 = arith.index_cast %parallel_loop3A_8 : i32 to index
      %parallel_loop3A_318 = tpu.vector_load %arg4[%parallel_loop3A_316, %parallel_loop3A_317] {strides = array<i32>} : memref<26x512xi32, #tpu.memory_space<vmem>>, vector<1x16xi32>,
      %parallel_loop3A_319 = vector.shape_cast %parallel_loop3A_318 : vector<1x16xi32> to vector<16xi32>
      %parallel_loop3A_320 = arith.constant 16 : i32
      %parallel_loop3A_321 = vector.broadcast %parallel_loop3A_320 : i32 to vector<16xi32>
      %parallel_loop3A_322 = arith.cmpi ult, %parallel_loop3A_319, %parallel_loop3A_321 : vector<16xi32>
      %parallel_loop3A_323 = arith.constant 272 : i32
      %parallel_loop3A_324 = vector.broadcast %parallel_loop3A_323 : i32 to vector<16xi32>
      %parallel_loop3A_325 = arith.addi %parallel_loop3A_319, %parallel_loop3A_324 : vector<16xi32>
      %parallel_loop3A_326 = arith.select %parallel_loop3A_322, %parallel_loop3A_325, %broadcast_in_dim3A_3 : vector<16xi1>, vector<16xi32>
      %parallel_loop3A_327 = arith.constant 17 : i32
      %parallel_loop3A_328 = arith.index_cast %parallel_loop3A_327 : i32 to index
      %parallel_loop3A_329 = arith.index_cast %parallel_loop3A_8 : i32 to index
      %parallel_loop3A_330 = tpu.vector_load %arg5[%parallel_loop3A_328, %parallel_loop3A_329] {strides = array<i32>} : memref<26x512xi32, #tpu.memory_space<vmem>>, vector<1x16xi32>,
      %parallel_loop3A_331 = vector.shape_cast %parallel_loop3A_330 : vector<1x16xi32> to vector<16xi32>
      %parallel_loop3A_332 = vector.shape_cast %parallel_loop3A_326 : vector<16xi32> to vector<1x16xi32>
      tpu.vector_store %arg5[%parallel_loop3A_328, %parallel_loop3A_329], %parallel_loop3A_332 {strides = array<i32>} : memref<26x512xi32, #tpu.memory_space<vmem>>, vector<1x16xi32>,
      %parallel_loop3A_333 = arith.constant 18 : i32
      %parallel_loop3A_334 = arith.index_cast %parallel_loop3A_333 : i32 to index
      %parallel_loop3A_335 = arith.index_cast %parallel_loop3A_8 : i32 to index
      %parallel_loop3A_336 = tpu.vector_load %arg4[%parallel_loop3A_334, %parallel_loop3A_335] {strides = array<i32>} : memref<26x512xi32, #tpu.memory_space<vmem>>, vector<1x16xi32>,
      %parallel_loop3A_337 = vector.shape_cast %parallel_loop3A_336 : vector<1x16xi32> to vector<16xi32>
      %parallel_loop3A_338 = arith.constant 16 : i32
      %parallel_loop3A_339 = vector.broadcast %parallel_loop3A_338 : i32 to vector<16xi32>
      %parallel_loop3A_340 = arith.cmpi ult, %parallel_loop3A_337, %parallel_loop3A_339 : vector<16xi32>
      %parallel_loop3A_341 = arith.constant 288 : i32
      %parallel_loop3A_342 = vector.broadcast %parallel_loop3A_341 : i32 to vector<16xi32>
      %parallel_loop3A_343 = arith.addi %parallel_loop3A_337, %parallel_loop3A_342 : vector<16xi32>
      %parallel_loop3A_344 = arith.select %parallel_loop3A_340, %parallel_loop3A_343, %broadcast_in_dim3A_3 : vector<16xi1>, vector<16xi32>
      %parallel_loop3A_345 = arith.constant 18 : i32
      %parallel_loop3A_346 = arith.index_cast %parallel_loop3A_345 : i32 to index
      %parallel_loop3A_347 = arith.index_cast %parallel_loop3A_8 : i32 to index
      %parallel_loop3A_348 = tpu.vector_load %arg5[%parallel_loop3A_346, %parallel_loop3A_347] {strides = array<i32>} : memref<26x512xi32, #tpu.memory_space<vmem>>, vector<1x16xi32>,
      %parallel_loop3A_349 = vector.shape_cast %parallel_loop3A_348 : vector<1x16xi32> to vector<16xi32>
      %parallel_loop3A_350 = vector.shape_cast %parallel_loop3A_344 : vector<16xi32> to vector<1x16xi32>
      tpu.vector_store %arg5[%parallel_loop3A_346, %parallel_loop3A_347], %parallel_loop3A_350 {strides = array<i32>} : memref<26x512xi32, #tpu.memory_space<vmem>>, vector<1x16xi32>,
      %parallel_loop3A_351 = arith.constant 19 : i32
      %parallel_loop3A_352 = arith.index_cast %parallel_loop3A_351 : i32 to index
      %parallel_loop3A_353 = arith.index_cast %parallel_loop3A_8 : i32 to index
      %parallel_loop3A_354 = tpu.vector_load %arg4[%parallel_loop3A_352, %parallel_loop3A_353] {strides = array<i32>} : memref<26x512xi32, #tpu.memory_space<vmem>>, vector<1x16xi32>,
      %parallel_loop3A_355 = vector.shape_cast %parallel_loop3A_354 : vector<1x16xi32> to vector<16xi32>
      %parallel_loop3A_356 = arith.constant 16 : i32
      %parallel_loop3A_357 = vector.broadcast %parallel_loop3A_356 : i32 to vector<16xi32>
      %parallel_loop3A_358 = arith.cmpi ult, %parallel_loop3A_355, %parallel_loop3A_357 : vector<16xi32>
      %parallel_loop3A_359 = arith.constant 304 : i32
      %parallel_loop3A_360 = vector.broadcast %parallel_loop3A_359 : i32 to vector<16xi32>
      %parallel_loop3A_361 = arith.addi %parallel_loop3A_355, %parallel_loop3A_360 : vector<16xi32>
      %parallel_loop3A_362 = arith.select %parallel_loop3A_358, %parallel_loop3A_361, %broadcast_in_dim3A_3 : vector<16xi1>, vector<16xi32>
      %parallel_loop3A_363 = arith.constant 19 : i32
      %parallel_loop3A_364 = arith.index_cast %parallel_loop3A_363 : i32 to index
      %parallel_loop3A_365 = arith.index_cast %parallel_loop3A_8 : i32 to index
      %parallel_loop3A_366 = tpu.vector_load %arg5[%parallel_loop3A_364, %parallel_loop3A_365] {strides = array<i32>} : memref<26x512xi32, #tpu.memory_space<vmem>>, vector<1x16xi32>,
      %parallel_loop3A_367 = vector.shape_cast %parallel_loop3A_366 : vector<1x16xi32> to vector<16xi32>
      %parallel_loop3A_368 = vector.shape_cast %parallel_loop3A_362 : vector<16xi32> to vector<1x16xi32>
      tpu.vector_store %arg5[%parallel_loop3A_364, %parallel_loop3A_365], %parallel_loop3A_368 {strides = array<i32>} : memref<26x512xi32, #tpu.memory_space<vmem>>, vector<1x16xi32>,
      %parallel_loop3A_369 = arith.constant 20 : i32
      %parallel_loop3A_370 = arith.index_cast %parallel_loop3A_369 : i32 to index
      %parallel_loop3A_371 = arith.index_cast %parallel_loop3A_8 : i32 to index
      %parallel_loop3A_372 = tpu.vector_load %arg4[%parallel_loop3A_370, %parallel_loop3A_371] {strides = array<i32>} : memref<26x512xi32, #tpu.memory_space<vmem>>, vector<1x16xi32>,
      %parallel_loop3A_373 = vector.shape_cast %parallel_loop3A_372 : vector<1x16xi32> to vector<16xi32>
      %parallel_loop3A_374 = arith.constant 16 : i32
      %parallel_loop3A_375 = vector.broadcast %parallel_loop3A_374 : i32 to vector<16xi32>
      %parallel_loop3A_376 = arith.cmpi ult, %parallel_loop3A_373, %parallel_loop3A_375 : vector<16xi32>
      %parallel_loop3A_377 = arith.constant 320 : i32
      %parallel_loop3A_378 = vector.broadcast %parallel_loop3A_377 : i32 to vector<16xi32>
      %parallel_loop3A_379 = arith.addi %parallel_loop3A_373, %parallel_loop3A_378 : vector<16xi32>
      %parallel_loop3A_380 = arith.select %parallel_loop3A_376, %parallel_loop3A_379, %broadcast_in_dim3A_3 : vector<16xi1>, vector<16xi32>
      %parallel_loop3A_381 = arith.constant 20 : i32
      %parallel_loop3A_382 = arith.index_cast %parallel_loop3A_381 : i32 to index
      %parallel_loop3A_383 = arith.index_cast %parallel_loop3A_8 : i32 to index
      %parallel_loop3A_384 = tpu.vector_load %arg5[%parallel_loop3A_382, %parallel_loop3A_383] {strides = array<i32>} : memref<26x512xi32, #tpu.memory_space<vmem>>, vector<1x16xi32>,
      %parallel_loop3A_385 = vector.shape_cast %parallel_loop3A_384 : vector<1x16xi32> to vector<16xi32>
      %parallel_loop3A_386 = vector.shape_cast %parallel_loop3A_380 : vector<16xi32> to vector<1x16xi32>
      tpu.vector_store %arg5[%parallel_loop3A_382, %parallel_loop3A_383], %parallel_loop3A_386 {strides = array<i32>} : memref<26x512xi32, #tpu.memory_space<vmem>>, vector<1x16xi32>,
      %parallel_loop3A_387 = arith.constant 21 : i32
      %parallel_loop3A_388 = arith.index_cast %parallel_loop3A_387 : i32 to index
      %parallel_loop3A_389 = arith.index_cast %parallel_loop3A_8 : i32 to index
      %parallel_loop3A_390 = tpu.vector_load %arg4[%parallel_loop3A_388, %parallel_loop3A_389] {strides = array<i32>} : memref<26x512xi32, #tpu.memory_space<vmem>>, vector<1x16xi32>,
      %parallel_loop3A_391 = vector.shape_cast %parallel_loop3A_390 : vector<1x16xi32> to vector<16xi32>
      %parallel_loop3A_392 = arith.constant 16 : i32
      %parallel_loop3A_393 = vector.broadcast %parallel_loop3A_392 : i32 to vector<16xi32>
      %parallel_loop3A_394 = arith.cmpi ult, %parallel_loop3A_391, %parallel_loop3A_393 : vector<16xi32>
      %parallel_loop3A_395 = arith.constant 336 : i32
      %parallel_loop3A_396 = vector.broadcast %parallel_loop3A_395 : i32 to vector<16xi32>
      %parallel_loop3A_397 = arith.addi %parallel_loop3A_391, %parallel_loop3A_396 : vector<16xi32>
      %parallel_loop3A_398 = arith.select %parallel_loop3A_394, %parallel_loop3A_397, %broadcast_in_dim3A_3 : vector<16xi1>, vector<16xi32>
      %parallel_loop3A_399 = arith.constant 21 : i32
      %parallel_loop3A_400 = arith.index_cast %parallel_loop3A_399 : i32 to index
      %parallel_loop3A_401 = arith.index_cast %parallel_loop3A_8 : i32 to index
      %parallel_loop3A_402 = tpu.vector_load %arg5[%parallel_loop3A_400, %parallel_loop3A_401] {strides = array<i32>} : memref<26x512xi32, #tpu.memory_space<vmem>>, vector<1x16xi32>,
      %parallel_loop3A_403 = vector.shape_cast %parallel_loop3A_402 : vector<1x16xi32> to vector<16xi32>
      %parallel_loop3A_404 = vector.shape_cast %parallel_loop3A_398 : vector<16xi32> to vector<1x16xi32>
      tpu.vector_store %arg5[%parallel_loop3A_400, %parallel_loop3A_401], %parallel_loop3A_404 {strides = array<i32>} : memref<26x512xi32, #tpu.memory_space<vmem>>, vector<1x16xi32>,
      %parallel_loop3A_405 = arith.constant 22 : i32
      %parallel_loop3A_406 = arith.index_cast %parallel_loop3A_405 : i32 to index
      %parallel_loop3A_407 = arith.index_cast %parallel_loop3A_8 : i32 to index
      %parallel_loop3A_408 = tpu.vector_load %arg4[%parallel_loop3A_406, %parallel_loop3A_407] {strides = array<i32>} : memref<26x512xi32, #tpu.memory_space<vmem>>, vector<1x16xi32>,
      %parallel_loop3A_409 = vector.shape_cast %parallel_loop3A_408 : vector<1x16xi32> to vector<16xi32>
      %parallel_loop3A_410 = arith.constant 16 : i32
      %parallel_loop3A_411 = vector.broadcast %parallel_loop3A_410 : i32 to vector<16xi32>
      %parallel_loop3A_412 = arith.cmpi ult, %parallel_loop3A_409, %parallel_loop3A_411 : vector<16xi32>
      %parallel_loop3A_413 = arith.constant 352 : i32
      %parallel_loop3A_414 = vector.broadcast %parallel_loop3A_413 : i32 to vector<16xi32>
      %parallel_loop3A_415 = arith.addi %parallel_loop3A_409, %parallel_loop3A_414 : vector<16xi32>
      %parallel_loop3A_416 = arith.select %parallel_loop3A_412, %parallel_loop3A_415, %broadcast_in_dim3A_3 : vector<16xi1>, vector<16xi32>
      %parallel_loop3A_417 = arith.constant 22 : i32
      %parallel_loop3A_418 = arith.index_cast %parallel_loop3A_417 : i32 to index
      %parallel_loop3A_419 = arith.index_cast %parallel_loop3A_8 : i32 to index
      %parallel_loop3A_420 = tpu.vector_load %arg5[%parallel_loop3A_418, %parallel_loop3A_419] {strides = array<i32>} : memref<26x512xi32, #tpu.memory_space<vmem>>, vector<1x16xi32>,
      %parallel_loop3A_421 = vector.shape_cast %parallel_loop3A_420 : vector<1x16xi32> to vector<16xi32>
      %parallel_loop3A_422 = vector.shape_cast %parallel_loop3A_416 : vector<16xi32> to vector<1x16xi32>
      tpu.vector_store %arg5[%parallel_loop3A_418, %parallel_loop3A_419], %parallel_loop3A_422 {strides = array<i32>} : memref<26x512xi32, #tpu.memory_space<vmem>>, vector<1x16xi32>,
      %parallel_loop3A_423 = arith.constant 23 : i32
      %parallel_loop3A_424 = arith.index_cast %parallel_loop3A_423 : i32 to index
      %parallel_loop3A_425 = arith.index_cast %parallel_loop3A_8 : i32 to index
      %parallel_loop3A_426 = tpu.vector_load %arg4[%parallel_loop3A_424, %parallel_loop3A_425] {strides = array<i32>} : memref<26x512xi32, #tpu.memory_space<vmem>>, vector<1x16xi32>,
      %parallel_loop3A_427 = vector.shape_cast %parallel_loop3A_426 : vector<1x16xi32> to vector<16xi32>
      %parallel_loop3A_428 = arith.constant 16 : i32
      %parallel_loop3A_429 = vector.broadcast %parallel_loop3A_428 : i32 to vector<16xi32>
      %parallel_loop3A_430 = arith.cmpi ult, %parallel_loop3A_427, %parallel_loop3A_429 : vector<16xi32>
      %parallel_loop3A_431 = arith.constant 368 : i32
      %parallel_loop3A_432 = vector.broadcast %parallel_loop3A_431 : i32 to vector<16xi32>
      %parallel_loop3A_433 = arith.addi %parallel_loop3A_427, %parallel_loop3A_432 : vector<16xi32>
      %parallel_loop3A_434 = arith.select %parallel_loop3A_430, %parallel_loop3A_433, %broadcast_in_dim3A_3 : vector<16xi1>, vector<16xi32>
      %parallel_loop3A_435 = arith.constant 23 : i32
      %parallel_loop3A_436 = arith.index_cast %parallel_loop3A_435 : i32 to index
      %parallel_loop3A_437 = arith.index_cast %parallel_loop3A_8 : i32 to index
      %parallel_loop3A_438 = tpu.vector_load %arg5[%parallel_loop3A_436, %parallel_loop3A_437] {strides = array<i32>} : memref<26x512xi32, #tpu.memory_space<vmem>>, vector<1x16xi32>,
      %parallel_loop3A_439 = vector.shape_cast %parallel_loop3A_438 : vector<1x16xi32> to vector<16xi32>
      %parallel_loop3A_440 = vector.shape_cast %parallel_loop3A_434 : vector<16xi32> to vector<1x16xi32>
      tpu.vector_store %arg5[%parallel_loop3A_436, %parallel_loop3A_437], %parallel_loop3A_440 {strides = array<i32>} : memref<26x512xi32, #tpu.memory_space<vmem>>, vector<1x16xi32>,
      %parallel_loop3A_441 = arith.constant 24 : i32
      %parallel_loop3A_442 = arith.index_cast %parallel_loop3A_441 : i32 to index
      %parallel_loop3A_443 = arith.index_cast %parallel_loop3A_8 : i32 to index
      %parallel_loop3A_444 = tpu.vector_load %arg4[%parallel_loop3A_442, %parallel_loop3A_443] {strides = array<i32>} : memref<26x512xi32, #tpu.memory_space<vmem>>, vector<1x16xi32>,
      %parallel_loop3A_445 = vector.shape_cast %parallel_loop3A_444 : vector<1x16xi32> to vector<16xi32>
      %parallel_loop3A_446 = arith.constant 16 : i32
      %parallel_loop3A_447 = vector.broadcast %parallel_loop3A_446 : i32 to vector<16xi32>
      %parallel_loop3A_448 = arith.cmpi ult, %parallel_loop3A_445, %parallel_loop3A_447 : vector<16xi32>
      %parallel_loop3A_449 = arith.constant 384 : i32
      %parallel_loop3A_450 = vector.broadcast %parallel_loop3A_449 : i32 to vector<16xi32>
      %parallel_loop3A_451 = arith.addi %parallel_loop3A_445, %parallel_loop3A_450 : vector<16xi32>
      %parallel_loop3A_452 = arith.select %parallel_loop3A_448, %parallel_loop3A_451, %broadcast_in_dim3A_3 : vector<16xi1>, vector<16xi32>
      %parallel_loop3A_453 = arith.constant 24 : i32
      %parallel_loop3A_454 = arith.index_cast %parallel_loop3A_453 : i32 to index
      %parallel_loop3A_455 = arith.index_cast %parallel_loop3A_8 : i32 to index
      %parallel_loop3A_456 = tpu.vector_load %arg5[%parallel_loop3A_454, %parallel_loop3A_455] {strides = array<i32>} : memref<26x512xi32, #tpu.memory_space<vmem>>, vector<1x16xi32>,
      %parallel_loop3A_457 = vector.shape_cast %parallel_loop3A_456 : vector<1x16xi32> to vector<16xi32>
      %parallel_loop3A_458 = vector.shape_cast %parallel_loop3A_452 : vector<16xi32> to vector<1x16xi32>
      tpu.vector_store %arg5[%parallel_loop3A_454, %parallel_loop3A_455], %parallel_loop3A_458 {strides = array<i32>} : memref<26x512xi32, #tpu.memory_space<vmem>>, vector<1x16xi32>,
      %parallel_loop3A_459 = arith.constant 25 : i32
      %parallel_loop3A_460 = arith.index_cast %parallel_loop3A_459 : i32 to index
      %parallel_loop3A_461 = arith.index_cast %parallel_loop3A_8 : i32 to index
      %parallel_loop3A_462 = tpu.vector_load %arg4[%parallel_loop3A_460, %parallel_loop3A_461] {strides = array<i32>} : memref<26x512xi32, #tpu.memory_space<vmem>>, vector<1x16xi32>,
      %parallel_loop3A_463 = vector.shape_cast %parallel_loop3A_462 : vector<1x16xi32> to vector<16xi32>
      %parallel_loop3A_464 = arith.constant 16 : i32
      %parallel_loop3A_465 = vector.broadcast %parallel_loop3A_464 : i32 to vector<16xi32>
      %parallel_loop3A_466 = arith.cmpi ult, %parallel_loop3A_463, %parallel_loop3A_465 : vector<16xi32>
      %parallel_loop3A_467 = arith.constant 400 : i32
      %parallel_loop3A_468 = vector.broadcast %parallel_loop3A_467 : i32 to vector<16xi32>
      %parallel_loop3A_469 = arith.addi %parallel_loop3A_463, %parallel_loop3A_468 : vector<16xi32>
      %parallel_loop3A_470 = arith.select %parallel_loop3A_466, %parallel_loop3A_469, %broadcast_in_dim3A_3 : vector<16xi1>, vector<16xi32>
      %parallel_loop3A_471 = arith.constant 25 : i32
      %parallel_loop3A_472 = arith.index_cast %parallel_loop3A_471 : i32 to index
      %parallel_loop3A_473 = arith.index_cast %parallel_loop3A_8 : i32 to index
      %parallel_loop3A_474 = tpu.vector_load %arg5[%parallel_loop3A_472, %parallel_loop3A_473] {strides = array<i32>} : memref<26x512xi32, #tpu.memory_space<vmem>>, vector<1x16xi32>,
      %parallel_loop3A_475 = vector.shape_cast %parallel_loop3A_474 : vector<1x16xi32> to vector<16xi32>
      %parallel_loop3A_476 = vector.shape_cast %parallel_loop3A_470 : vector<16xi32> to vector<1x16xi32>
      tpu.vector_store %arg5[%parallel_loop3A_472, %parallel_loop3A_473], %parallel_loop3A_476 {strides = array<i32>} : memref<26x512xi32, #tpu.memory_space<vmem>>, vector<1x16xi32>,
    } {sc.loop_unroll_factor = 1 : i64, sc.parallel_access}
    "tpu.region"() ({
      %run_scoped3A = tpu.sem_alloc : memref<!tpu.dma_semaphore, #tpu.memory_space<semaphore_mem>>
      %dma_start3A = arith.constant 0 : i32
      %dma_start3A_6 = tpu.memref_slice %arg3[%dma_start3A, %mul3A_2] : memref<26x16384xi32, #tpu.memory_space<hbm>> -> memref<26x512xi32, #tpu.memory_space<hbm>>
      %dma_start3A_7 = arith.constant 0 : i32
      %dma_start3A_8 = tpu.memref_slice %arg3[%dma_start3A_7, %mul3A_2] : memref<26x16384xi32, #tpu.memory_space<hbm>> -> memref<26x512xi32, #tpu.memory_space<hbm>>
      tpu.enqueue_dma source(%arg5 : memref<26x512xi32, #tpu.memory_space<vmem>>) target(%dma_start3A_8 : memref<26x512xi32, #tpu.memory_space<hbm>>) target_semaphore(%run_scoped3A : memref<!tpu.dma_semaphore, #tpu.memory_space<semaphore_mem>>)
      %dma_wait3A = arith.constant 0 : i32
      %dma_wait3A_9 = tpu.memref_slice %arg3[%dma_wait3A, %mul3A_2] : memref<26x16384xi32, #tpu.memory_space<hbm>> -> memref<26x512xi32, #tpu.memory_space<hbm>>
      %dma_wait3A_10 = arith.constant 0 : i32
      %dma_wait3A_11 = tpu.memref_slice %arg3[%dma_wait3A_10, %mul3A_2] : memref<26x16384xi32, #tpu.memory_space<hbm>> -> memref<26x512xi32, #tpu.memory_space<hbm>>
      tpu.wait_dma2 semaphore(%run_scoped3A : memref<!tpu.dma_semaphore, #tpu.memory_space<semaphore_mem>>) src(%arg5 : memref<26x512xi32, #tpu.memory_space<vmem>>) dst(%dma_wait3A_11 : memref<26x512xi32, #tpu.memory_space<hbm>>)
      tpu.yield
    }) : () -> ()
    return
  }
}

</mosaic_0001>

<sc_bundles>
// kernel: kernel.3.cloned.1.call-start
scs
__scs_entry_jumppad:
0x0: {  	(pc) =	sbr.rel $0x88, $3  }
0x1: {  	(tag) =	ssettag $0x0;
	lr =	simm.s32 $0x1  }
0x2: {  	[smem:$0x3FA0] =	sst lr;
	_ =	strace $0xD0000000  }
0x3: {  	_ = 	snop  }
0x4: {  	_ = 	snop  }
0x5: {  	_ = 	snop  }
0x6: {  	_ = 	snop  }
0x7: {  	_ = 	snop  }
__scs_overlays_trampoline_lowered:
0x8: {  	[smem:$0x3FAF] =	sst s0  }
0x9: {  	[smem:$0x3FB0] =	sst s1  }
0xa: {  	[smem:$0x3FB1] =	sst s2  }
0xb: {  	[smem:$0x3FB2] =	sst s3  }
0xc: {  	[smem:$0x3FB3] =	sst s4  }
0xd: {  	[smem:$0x3FB4] =	sst s5  }
0xe: {  	[smem:$0x3FB5] =	sst s6  }
0xf: {  	[smem:$0x3FB6] =	sst s7  }
0x10: {  	[smem:$0x3FB7] =	sst s8  }
0x11: {  	[smem:$0x3FB8] =	sst s9;
	s0 =	simm.s32 @!p0 $0x0  }
0x12: {  	s1 =	sld [smem:$0x3F9E];
	s0 =	simm.s32 @p0 $0x1  }
0x13: {  	[smem:$0x3FB9] =	sst s0;
	s0 =	simm.s32 @!p1 $0x0  }
0x14: {  	s2 =	sld [smem:$0x3F9D];
	s0 =	simm.s32 @p1 $0x1  }
0x15: {  	[smem:$0x3FBA] =	sst s0;
	s0 =	simm.s32 @!p2 $0x0  }
0x16: {  	s3 =	sld [smem:$0x3FDB];
	s0 =	simm.s32 @p2 $0x1  }
0x17: {  	s4 =	simm.s32 $0x1BF5;
	[smem:$0x3FBC] =	sst s0  }
0x18: {  	s0 =	sld [smem:$0x3F9F];
	_ =	swait.ge [sflag:s4], $0x0  }
0x19: {  	s7 =	sld [smem:$0x3FA0]  }
0x1a: {  	s8 =	sadd.s32 $0xFFFFE003, lr  }
0x1b: {  	s9 =	sadd.s32 $0xFFFFFEF7, lr;
	s5 =	simm.s32 $0xFFFFFFFF;
	p2 =	slt.u32 s8, $0xFFFFF086  }
0x1c: {  	p1 =	slt.u32 s9, $0xF7A;
	s5 =	simm.s32 @!p2 $0x0  }
0x1d: {  	s5 =	simm.s32 @p1 $0x1;
	p0 =	seq.s32 s7, s2  }
0x1e: {  	s7 =	smul.u32 @!p0 $0xF7A, s2;
	p2 =	seq.s32 @!p0 s5, $0x0  }
0x1f: {  	s9 =	smul.u32 $0xF7A, s1;
	s8 =	simm.s32 @!p0 $0x1BF5;
	p2 =	por !p2, p0  }
0x20: {  	[sflag:s8] =	ssyncset.s32 @!p0 $0xFFFFF086;
	s6 =	sadd.s32 @!p0 s3, s7;
	s7 =	simm.s32 @!p0 $0x108  }
0x21: {  	s3 =	sadd.s32 s3, s9;
	s6 =	sadd.s32 @!p0 $0x88, s6;
	s7 =	simm.s32 @p2 $0x1082  }
0x22: {  	[simem:s7], [sflag:s8] =	dma.local @!p0 [hbm:s6], $0xF7A  }
0x23: {  	s9 =	sor.u32 $0xD0000000, s2;
	s6 =	simm.s32 $0x108;
	_ =	swait.ge @!p0 [sflag:s8], $0x0  }
0x24: {  	s3 =	sadd.s32 $0x88, s3;
	s6 =	simm.s32 @!p1 $0x1082;
	[sflag:s4] =	ssyncset.s32 $0xFFFFF086  }
0x25: {  	[simem:s6], [sflag:s4] =	dma.local [hbm:s3], $0xF7A  }
0x26: {  	[smem:$0x3FA0] =	sst s1;
	(tag) =	ssettag s2;
	_ =	strace s9  }
0x27: {  	s1 =	sld [smem:$0x3FB0]  }
0x28: {  	s2 =	sld [smem:$0x3FB1]  }
0x29: {  	s4 =	sld [smem:$0x3FB3]  }
0x2a: {  	p0 =	seq.s32 s5, $0x0;
	s5 =	sld [smem:$0x3FB4]  }
0x2b: {  	s6 =	sld [smem:$0x3FB5]  }
0x2c: {  	s7 =	sld [smem:$0x3FB6]  }
0x2d: {  	s3 =	simm.s32 $0x108;
	s8 =	sld [smem:$0x3FB7]  }
0x2e: {  	s3 =	simm.s32 @!p0 $0x1082;
	s9 =	sld [smem:$0x3FB8]  }
0x2f: {  	lr =	sadd.s32 s0, s3;
	s0 =	sld [smem:$0x3FAF]  }
0x30: {  	s3 =	sld [smem:$0x3FB2]  }
0x31: {  	[smem:$0x3FBB] =	sst s10  }
0x32: {  	s10 =	sld [smem:$0x3FB9];
	_ =	sdelay $0x3  }
0x33: {  	p0 =	seq.s32 s10, $0x1;
	s10 =	sld [smem:$0x3FBB];
	_ =	sdelay $0x3  }
0x34: {  	[smem:$0x3FBB] =	sst s10  }
0x35: {  	s10 =	sld [smem:$0x3FBA];
	_ =	sdelay $0x3  }
0x36: {  	p1 =	seq.s32 s10, $0x1;
	s10 =	sld [smem:$0x3FBB];
	_ =	sdelay $0x3  }
0x37: {  	[smem:$0x3FBB] =	sst s10  }
0x38: {  	s10 =	sld [smem:$0x3FBC]  }
0x39: {  	_ = 	snop;
	(pc) =	sbr.ind lr, $3  }
0x3a: {  	_ = 	snop  }
0x3b: {  	_ = 	snop  }
0x3c: {  	p2 =	seq.s32 s10, $0x1;
	s10 =	sld [smem:$0x3FBB]  }
0x3d: {  	_ =	shalt  }
0x3e: {  	_ =	shalt  }
0x3f: {  	_ =	shalt  }
0x40: {  	_ =	shalt  }
0x41: {  	_ =	shalt  }
0x42: {  	_ =	shalt  }
0x43: {  	_ =	shalt  }
0x44: {  	_ =	shalt  }
0x45: {  	_ =	shalt  }
0x46: {  	_ =	shalt  }
0x47: {  	_ =	shalt  }
0x48: {  	_ =	shalt  }
0x49: {  	_ =	shalt  }
0x4a: {  	_ =	shalt  }
0x4b: {  	_ =	shalt  }
0x4c: {  	_ =	shalt  }
0x4d: {  	_ =	shalt  }
0x4e: {  	_ =	shalt  }
0x4f: {  	_ =	shalt  }
0x50: {  	_ =	shalt  }
0x51: {  	_ =	shalt  }
0x52: {  	_ =	shalt  }
0x53: {  	_ =	shalt  }
0x54: {  	_ =	shalt  }
0x55: {  	_ =	shalt  }
0x56: {  	_ =	shalt  }
0x57: {  	_ =	shalt  }
0x58: {  	_ =	shalt  }
0x59: {  	_ =	shalt  }
0x5a: {  	_ =	shalt  }
0x5b: {  	_ =	shalt  }
0x5c: {  	_ =	shalt  }
0x5d: {  	_ =	shalt  }
0x5e: {  	_ =	shalt  }
0x5f: {  	_ =	shalt  }
0x60: {  	_ =	shalt  }
0x61: {  	_ =	shalt  }
0x62: {  	_ =	shalt  }
0x63: {  	_ =	shalt  }
0x64: {  	_ =	shalt  }
0x65: {  	_ =	shalt  }
0x66: {  	_ =	shalt  }
0x67: {  	_ =	shalt  }
0x68: {  	_ =	shalt  }
0x69: {  	_ =	shalt  }
0x6a: {  	_ =	shalt  }
0x6b: {  	_ =	shalt  }
0x6c: {  	_ =	shalt  }
0x6d: {  	_ =	shalt  }
0x6e: {  	_ =	shalt  }
0x6f: {  	_ =	shalt  }
0x70: {  	_ =	shalt  }
0x71: {  	_ =	shalt  }
0x72: {  	_ =	shalt  }
0x73: {  	_ =	shalt  }
0x74: {  	_ =	shalt  }
0x75: {  	_ =	shalt  }
0x76: {  	_ =	shalt  }
0x77: {  	_ =	shalt  }
0x78: {  	_ =	shalt  }
0x79: {  	_ =	shalt  }
0x7a: {  	_ =	shalt  }
0x7b: {  	_ =	shalt  }
0x7c: {  	_ =	shalt  }
0x7d: {  	_ =	shalt  }
0x7e: {  	_ =	shalt  }
0x7f: {  	_ =	shalt  }
0x80: {  	_ =	shalt  }
0x81: {  	_ =	shalt  }
0x82: {  	_ =	shalt  }
0x83: {  	_ =	shalt  }
0x84: {  	_ =	shalt  }
0x85: {  	_ =	shalt  }
0x86: {  	_ =	shalt  }
0x87: {  	_ =	shalt  }
.Lfunc_end0:
.L_simem_size_0:
called_computation_lowered:
.L_overlay_start_0:
0x88: {  	s2 =	sld [smem:$0x3FD9]  }
0x89: {  	s3 =	sld [smem:$0x3FFE];
	_ =	sdelay $0x1  }
0x8a: {  	s1 =	srdreg.scid  }
0x8b: {  	s0 =	sand.u32 $0x1, s1  }
0x8c: {  	s18 =	sshll.u32 s0, $0xA;
	s2 =	sadd.s32 s3, s2  }
0x8d: {  	s2 =	sadd.s32 s2, s18  }
0x8e: {  	[smem:$0x3FC7] =	sst s2  }
0x8f: {  	_ = 	snop  }
0x90: {  	s2 =	sld [smem:$0x3FC9]  }
0x91: {  	s19 =	sld [smem:$0x3FD0];
	(tm) =	ssettm $0x1  }
0x92: {  	s4 =	sld [smem:$0x3FFB];
	_ =	sdelay $0x3  }
0x93: {  	_ =	strace s4  }
0x94: {  	s4 =	sld [smem:$0x3FFC];
	_ =	sdelay $0x3  }
0x95: {  	_ =	strace s4  }
0x96: {  	s4 =	sld [smem:$0x3FFD];
	_ =	sdelay $0x3  }
0x97: {  	_ =	strace s4  }
0x98: {  	_ =	strace $0x8FFFFFFF  }
0x99: {  	s20 =	sld [smem:$0x3FDB];
	_ =	sdelay $0x1  }
0x9a: {  	s5 =	simm.s32 $_scs_section_size  }
0x9b: {  	s6 =	simm.s32 $_size__tile_overlayer_lowered;
	s7 =	simm.s32 $_tile_overlayer_lowered  }
0x9c: {  	s23 =	simm.s32 $0x1BFF;
	s22 =	sshll.u32 s7, $0x1;
	s4 =	sadd.s32 s5, s20  }
0x9d: {  	s8 =	simm.s32 $0x0;
	s21 =	sshll.u32 s6, $0x1;
	s6 =	sadd.s32 s22, s4  }
0x9e: {  	[timem:s8], [sflag:s23] =	dma.local [hbm:s6], s21  }
0x9f: {  	_ =	swait.ge [sflag:s23], s21  }
0xa0: {  	s5 =	ssub.s32 $0x0, s21;
	[sflag:s23] =	ssyncset.done $0x0  }
0xa1: {  	[sflag:s23] =	ssyncadd.s32 s5;
	_ =	sdelay $0x1  }
0xa2: {  	s24 =	simm.s32 $0x1B8B  }
0xa3: {  	_ =	swait.ge [sflag:s24], $0x1  }
0xa4: {  	[sflag:s24] =	ssyncset.done $0x0  }
0xa5: {  	s25 =	simm.s32 $0x1B8E;
	[sflag:s24] =	ssyncadd.s32 $0xFFFFFFFF  }
0xa6: {  	s26 =	simm.s32 $execute0_lowered;
	[smem:$0x3FD2] =	sst s25  }
0xa7: {  	s5 =	sshll.u32 s26, $0x1;
	_ =	strace $0x80000046;
	[dreg:$0x1] =	wrdreg $0xFFFFFFFF  }
0xa8: {  	s28 =	simm.s32 $_size_execute0_lowered;
	s4 =	sadd.s32 s4, s5;
	[dreg:$0x0] =	wrdreg $0x0  }
0xa9: {  	s5 =	sshll.u32 s28, $0x1;
	[dreg:$0x2] =	wrdreg s4  }
0xaa: {  	[dreg:$0x3] =	wrdreg s5  }
0xab: {  	[dreg:$0x4] =	wrdreg $0xC0  }
0xac: {  	_ =	task [dreg:s8], $0x5FFFF  }
0xad: {  	[dreg:$0x1] =	wrdreg $0xFFFFFFFF  }
0xae: {  	[dreg:$0x0] =	wrdreg $0x60  }
0xaf: {  	[dreg:$0x2] =	wrdreg s2  }
0xb0: {  	[dreg:$0x3] =	wrdreg s19  }
0xb1: {  	[dreg:$0x4] =	wrdreg $0x9  }
0xb2: {  	_ =	task.clear_ibuf [dreg:s8], $0x5FFFF;
	_ =	strace $0x90000046  }
0xb3: {  	s29 =	simm.s32 $0x9;
	_ =	strace $0x80000048  }
0xb4: {  	_ =	swait.ge [sflag:s29], $0x1  }
0xb5: {  	[sflag:s29] =	ssyncadd.s32 $0xFFFFFFFF  }
0xb6: {  	_ =	strace $0x90000048  }
0xb7: {  	_ =	sfence  }
0xb8: {  	s30 =	sld [smem:$0x0];
	_ =	sdelay $0x2  }
0xb9: {  	s31 =	sshll.u32 s1, $0xD;
	s1 =	sshrl.u32 s1, $0x2  }
0xba: {  	s3 =	sand.u32 $0x4000, s31;
	s1 =	sadd.s32 s1, s30  }
0xbb: {  	s0 =	sor.u32 s3, s0;
	s1 =	sshll.u32 s1, $0x11  }
0xbc: {  	s0 =	sor.u32 s1, s0  }
0xbd: {  	s0 =	sadd.s32 $0x8F2B, s0  }
0xbe: {  	[sflag:s0] =	ssyncadd.remote.s32 $0x1  }
0xbf: {  	_ =	sfence.sel $0xFFFF  }
0xc0: {  	[dreg:$0x0] =	wrdreg $0xFFFFFFFF;
	(pc) =	sbr.abs _section_cstart, $3  }
0xc1: {  	[dreg:$0x1] =	wrdreg $0xFFFFFFFF  }
0xc2: {  	_ =	task.clear_ibuf [dreg:s8], $0x2FFFF;
	_ =	strace $0x9FFFFFFF  }
0xc3: {  	(tm) =	ssettm $0x7FFFFFFF  }
tec
execute0_lowered:
.L_overlay_start_1:
0x0: {  	(tag) =	ssettag $0x1  }
0x1: {  	s3 =	rddreg [dreg:$0x0]  }
0x2: {  	s4 =	rddreg [dreg:$0x1]  }
0x3: {  	s0 =	rddreg [dreg:$0x2];
	s2 =	simm.s32 $0x0;
	s5 =	srdreg.scid  }
0x4: {  	s1 =	stileid.u32;
	s9 =	simm.s32 $0x4000;
	s10 =	simm.s32 $0x0  }
0x5: {  	[smem:$0x7FF] =	sst s2;
	s5 =	sand.u32 $0x1, s5;
	s7 =	sshll.u32 s1, $0xA  }
0x6: {  	s6 =	ssub.s32 $0x2, s5;
	s5 =	sshll.u32 s5, $0x9;
	_ =	strace $0x80000047  }
0x7: {  	s8 =	sshrl.u32 s6, $0x1;
	s5 =	sor.u32 s5, s7;
	s7 =	simm.s32 $0x20000  }
0x8: {  	s6 =	ssub.s32 s6, s8;
	s3 =	sadd.s32 s3, s5;
	s4 =	sadd.s32 s4, s5  }
0x9: {  	s8 =	simm.s32 $0x1;
	s5 =	smax.u32 s6, $0x1;
	s6 =	simm.s32 $0x1000  }
.LBB2_1:
0xa: {  	[tilespmem:s2], [sflag:$0x1] =	stream.strided.gather [hbm4b:s3+s6], $0x4000, s7, s6, $0x38;
	[tilespmem:$0x8000] =	vst v63  }
0xb: {  	_ =	swait.ge [sflag:s8], $0x4000  }
0xc: {  	s11 =	sand.u32 $0x70, s2;
	s12 =	sand.u32 $0xC00, s2;
	[sflag:s8] =	ssyncset.done $0x0  }
0xd: {  	s11 =	sor.u32 s11, s12;
	[sflag:s8] =	ssyncadd.s32 $0xFFFFC000  }
0xe: {  	v0 =	vld [tilespmem:s11+$0x0]  }
0xf: {  	v1 =	vld [tilespmem:s11+$0x100]  }
0x10: {  	v2 =	vld [tilespmem:s11+$0x80];
	_ =	sdelay $0x2  }
0x11: {  	vm0 =	vlt.u32 v0, $0x10  }
0x12: {  	v0 =	vnsel vm0, $0xFFFFFFFF, v0;
	vm0 =	vlt.u32 v1, $0x10;
	v1 =	vadd.s32 $0x20, v1  }
0x13: {  	s21 =	sand.u32 $0xFFFFFC00, s2;
	vm1 =	vlt.u32 v2, $0x10;
	v2 =	vadd.s32 $0x10, v2;
	[tilespmem:s11+$0x4000] =	vst v0;
	v0 =	vnsel vm0, $0xFFFFFFFF, v1  }
0x14: {  	s20 =	sadd.s32 $0x0, s21;
	v1 =	vnsel vm1, $0xFFFFFFFF, v2;
	[tilespmem:s11+$0x4100] =	vst v0  }
0x15: {  	s12 =	sor.u32 $0x180, s20;
	[tilespmem:s11+$0x4080] =	vst v1  }
0x16: {  	v0 =	vld [tilespmem:s12+$0x0];
	_ =	sdelay $0x4  }
0x17: {  	vm0 =	vlt.u32 v0, $0x10;
	v0 =	vadd.s32 $0x30, v0  }
0x18: {  	v0 =	vnsel vm0, $0xFFFFFFFF, v0  }
0x19: {  	[tilespmem:s12+$0x4000] =	vst v0  }
0x1a: {  	v0 =	vld [tilespmem:s11+$0x200]  }
0x1b: {  	v1 =	vld [tilespmem:s11+$0x300]  }
0x1c: {  	v2 =	vld [tilespmem:s11+$0x280];
	_ =	sdelay $0x1  }
0x1d: {  	s14 =	simm.s32 $0x10;
	s15 =	simm.s32 $0x80  }
0x1e: {  	s22 =	sand.u32 $0x70, s14;
	s13 =	sand.u32 $0xC00, s15;
	vm0 =	vlt.u32 v0, $0x10;
	v0 =	vadd.s32 $0x40, v0  }
0x1f: {  	s12 =	sor.u32 s22, s13;
	v0 =	vnsel vm0, $0xFFFFFFFF, v0;
	vm0 =	vlt.u32 v1, $0x10;
	v1 =	vadd.s32 $0x60, v1  }
0x20: {  	v3 =	vadd.s32 $0x50, v2;
	vm1 =	vlt.u32 v2, $0x10;
	v2 =	vld [tilespmem:s12+$0x0];
	[tilespmem:s11+$0x4200] =	vst v0;
	v0 =	vnsel vm0, $0xFFFFFFFF, v1  }
0x21: {  	s19 =	sor.u32 s2, s2;
	v1 =	vnsel vm1, $0xFFFFFFFF, v3;
	v3 =	vld [tilespmem:s12+$0x80];
	[tilespmem:s11+$0x4300] =	vst v0  }
0x22: {  	s23 =	sor.u32 $0x380, s19;
	v0 =	vld [tilespmem:s12+$0x100];
	[tilespmem:s11+$0x4280] =	vst v1  }
0x23: {  	v1 =	vld [tilespmem:s23+$0x0];
	_ =	sdelay $0x1  }
0x24: {  	vm0 =	vlt.u32 v2, $0x10  }
0x25: {  	v2 =	vnsel vm0, $0xFFFFFFFF, v2;
	vm1 =	vlt.u32 v3, $0x10;
	v3 =	vadd.s32 $0x10, v3  }
0x26: {  	s16 =	sand.u32 $0xFFFFFC00, s15;
	[tilespmem:s12+$0x4000] =	vst v2;
	vm0 =	vlt.u32 v0, $0x10;
	v0 =	vadd.s32 $0x20, v0;
	v2 =	vnsel vm1, $0xFFFFFFFF, v3  }
0x27: {  	s16 =	sadd.s32 $0x10, s16;
	v0 =	vnsel vm0, $0xFFFFFFFF, v0;
	v3 =	vadd.s32 $0x70, v1;
	vm0 =	vlt.u32 v1, $0x10;
	[tilespmem:s12+$0x4080] =	vst v2  }
0x28: {  	s17 =	sor.u32 $0x180, s16;
	[tilespmem:s12+$0x4100] =	vst v0;
	v0 =	vnsel vm0, $0xFFFFFFFF, v3  }
0x29: {  	v1 =	vld [tilespmem:s17+$0x0];
	[tilespmem:s23+$0x4000] =	vst v0  }
0x2a: {  	v0 =	vld [tilespmem:s11+$0x1100]  }
0x2b: {  	v2 =	vld [tilespmem:s11+$0x1000]  }
0x2c: {  	v3 =	vld [tilespmem:s11+$0x1080];
	_ =	sdelay $0x1  }
0x2d: {  	vm0 =	vlt.u32 v1, $0x10;
	v1 =	vadd.s32 $0x30, v1  }
0x2e: {  	v1 =	vnsel vm0, $0xFFFFFFFF, v1;
	vm0 =	vlt.u32 v0, $0x10;
	v0 =	vadd.s32 $0xA0, v0  }
0x2f: {  	vm1 =	vlt.u32 v2, $0x10;
	[tilespmem:s17+$0x4000] =	vst v1;
	v1 =	vadd.s32 $0x80, v2;
	v0 =	vnsel vm0, $0xFFFFFFFF, v0  }
0x30: {  	vm0 =	vlt.u32 v3, $0x10;
	v3 =	vadd.s32 $0x90, v3;
	v2 =	vld [tilespmem:s12+$0x200];
	v1 =	vnsel vm1, $0xFFFFFFFF, v1;
	[tilespmem:s11+$0x5100] =	vst v0  }
0x31: {  	v0 =	vnsel vm0, $0xFFFFFFFF, v3;
	[tilespmem:s11+$0x5000] =	vst v1;
	v1 =	vld [tilespmem:s12+$0x300]  }
0x32: {  	s24 =	sor.u32 $0x1180, s20;
	v3 =	vld [tilespmem:s12+$0x280];
	[tilespmem:s11+$0x5080] =	vst v0  }
0x33: {  	v0 =	vld [tilespmem:s24+$0x0]  }
0x34: {  	s18 =	simm.s32 $0x20;
	s23 =	simm.s32 $0x100  }
0x35: {  	s25 =	sand.u32 $0x70, s18;
	s21 =	sand.u32 $0xC00, s23;
	vm0 =	vlt.u32 v2, $0x10;
	v2 =	vadd.s32 $0x40, v2  }
0x36: {  	s13 =	sor.u32 s25, s21;
	v2 =	vnsel vm0, $0xFFFFFFFF, v2;
	vm0 =	vlt.u32 v1, $0x10;
	v1 =	vadd.s32 $0x60, v1  }
0x37: {  	v4 =	vadd.s32 $0x50, v3;
	vm1 =	vlt.u32 v3, $0x10;
	v3 =	vld [tilespmem:s13+$0x0];
	[tilespmem:s12+$0x4200] =	vst v2;
	v1 =	vnsel vm0, $0xFFFFFFFF, v1  }
0x38: {  	s14 =	sor.u32 s14, s15;
	v2 =	vnsel vm1, $0xFFFFFFFF, v4;
	vm0 =	vlt.u32 v0, $0x10;
	v0 =	vadd.s32 $0xB0, v0;
	v4 =	vld [tilespmem:s13+$0x80];
	[tilespmem:s12+$0x4300] =	vst v1  }
0x39: {  	s15 =	sor.u32 $0x380, s14;
	v1 =	vld [tilespmem:s13+$0x100];
	[tilespmem:s12+$0x4280] =	vst v2;
	v0 =	vnsel vm0, $0xFFFFFFFF, v0  }
0x3a: {  	v2 =	vld [tilespmem:s15+$0x0];
	[tilespmem:s24+$0x4000] =	vst v0  }
0x3b: {  	v0 =	vld [tilespmem:s11+$0x1300]  }
0x3c: {  	vm0 =	vlt.u32 v3, $0x10;
	v5 =	vld [tilespmem:s11+$0x1200]  }
0x3d: {  	v6 =	vld [tilespmem:s11+$0x1280];
	v3 =	vnsel vm0, $0xFFFFFFFF, v3;
	vm1 =	vlt.u32 v4, $0x10;
	v4 =	vadd.s32 $0x10, v4  }
0x3e: {  	s26 =	sand.u32 $0xFFFFFC00, s23;
	[tilespmem:s13+$0x4000] =	vst v3;
	vm0 =	vlt.u32 v1, $0x10;
	v1 =	vadd.s32 $0x20, v1;
	v3 =	vnsel vm1, $0xFFFFFFFF, v4  }
0x3f: {  	s17 =	sadd.s32 $0x20, s26;
	v1 =	vnsel vm0, $0xFFFFFFFF, v1;
	v4 =	vadd.s32 $0x70, v2;
	vm0 =	vlt.u32 v2, $0x10;
	[tilespmem:s13+$0x4080] =	vst v3  }
0x40: {  	s29 =	sor.u32 $0x180, s17;
	[tilespmem:s13+$0x4100] =	vst v1;
	vm1 =	vlt.u32 v0, $0x10;
	v0 =	vadd.s32 $0xE0, v0;
	v1 =	vnsel vm0, $0xFFFFFFFF, v4  }
0x41: {  	vm0 =	vlt.u32 v5, $0x10;
	v0 =	vnsel vm1, $0xFFFFFFFF, v0;
	v2 =	vld [tilespmem:s29+$0x0];
	[tilespmem:s15+$0x4000] =	vst v1;
	v1 =	vadd.s32 $0xC0, v5  }
0x42: {  	v3 =	vadd.s32 $0xD0, v6;
	vm1 =	vlt.u32 v6, $0x10;
	v4 =	vld [tilespmem:s12+$0x1100];
	v1 =	vnsel vm0, $0xFFFFFFFF, v1;
	[tilespmem:s11+$0x5300] =	vst v0  }
0x43: {  	v0 =	vnsel vm1, $0xFFFFFFFF, v3;
	v3 =	vld [tilespmem:s12+$0x1000];
	[tilespmem:s11+$0x5200] =	vst v1  }
0x44: {  	s30 =	sor.u32 $0x1380, s19;
	v1 =	vld [tilespmem:s12+$0x1080];
	[tilespmem:s11+$0x5280] =	vst v0  }
0x45: {  	v0 =	vld [tilespmem:s30+$0x0]  }
0x46: {  	vm0 =	vlt.u32 v2, $0x10;
	v2 =	vadd.s32 $0x30, v2  }
0x47: {  	v2 =	vnsel vm0, $0xFFFFFFFF, v2;
	vm0 =	vlt.u32 v4, $0x10;
	v4 =	vadd.s32 $0xA0, v4  }
0x48: {  	vm1 =	vlt.u32 v3, $0x10;
	[tilespmem:s29+$0x4000] =	vst v2;
	v2 =	vadd.s32 $0x80, v3;
	v3 =	vnsel vm0, $0xFFFFFFFF, v4  }
0x49: {  	vm0 =	vlt.u32 v1, $0x10;
	v1 =	vadd.s32 $0x90, v1;
	v4 =	vld [tilespmem:s13+$0x200];
	v2 =	vnsel vm1, $0xFFFFFFFF, v2;
	[tilespmem:s12+$0x5100] =	vst v3  }
0x4a: {  	v1 =	vnsel vm0, $0xFFFFFFFF, v1;
	vm0 =	vlt.u32 v0, $0x10;
	v0 =	vadd.s32 $0xF0, v0;
	[tilespmem:s12+$0x5000] =	vst v2;
	v2 =	vld [tilespmem:s13+$0x300]  }
0x4b: {  	s24 =	sor.u32 $0x1180, s16;
	v3 =	vld [tilespmem:s13+$0x280];
	[tilespmem:s12+$0x5080] =	vst v1;
	v0 =	vnsel vm0, $0xFFFFFFFF, v0  }
0x4c: {  	v1 =	vld [tilespmem:s24+$0x0];
	[tilespmem:s30+$0x4000] =	vst v0  }
0x4d: {  	s22 =	simm.s32 $0x180;
	s21 =	simm.s32 $0x30;
	v0 =	vld [tilespmem:s11+$0x2100]  }
0x4e: {  	s25 =	sand.u32 $0xC00, s22;
	s31 =	sand.u32 $0x70, s21;
	v5 =	vld [tilespmem:s11+$0x2000];
	vm0 =	vlt.u32 v4, $0x10;
	v4 =	vadd.s32 $0x40, v4  }
0x4f: {  	s15 =	sor.u32 s31, s25;
	v6 =	vld [tilespmem:s11+$0x2080];
	v4 =	vnsel vm0, $0xFFFFFFFF, v4;
	vm0 =	vlt.u32 v2, $0x10;
	v2 =	vadd.s32 $0x60, v2  }
0x50: {  	v7 =	vadd.s32 $0x50, v3;
	vm1 =	vlt.u32 v3, $0x10;
	v3 =	vld [tilespmem:s15+$0x0];
	[tilespmem:s13+$0x4200] =	vst v4;
	v2 =	vnsel vm0, $0xFFFFFFFF, v2  }
0x51: {  	s18 =	sor.u32 s18, s23;
	v4 =	vnsel vm1, $0xFFFFFFFF, v7;
	vm0 =	vlt.u32 v1, $0x10;
	v1 =	vadd.s32 $0xB0, v1;
	[tilespmem:s13+$0x4300] =	vst v2;
	v2 =	vld [tilespmem:s15+$0x100]  }
0x52: {  	s23 =	sor.u32 $0x380, s18;
	v7 =	vld [tilespmem:s15+$0x80];
	vm1 =	vlt.u32 v0, $0x10;
	v0 =	vadd.s32 $0x120, v0;
	[tilespmem:s13+$0x4280] =	vst v4;
	v1 =	vnsel vm0, $0xFFFFFFFF, v1  }
0x53: {  	vm0 =	vlt.u32 v5, $0x10;
	v0 =	vnsel vm1, $0xFFFFFFFF, v0;
	v4 =	vld [tilespmem:s23+$0x0];
	[tilespmem:s24+$0x4000] =	vst v1;
	v1 =	vadd.s32 $0x100, v5  }
0x54: {  	vm1 =	vlt.u32 v6, $0x10;
	v5 =	vadd.s32 $0x110, v6;
	v6 =	vld [tilespmem:s12+$0x1300];
	v1 =	vnsel vm0, $0xFFFFFFFF, v1;
	[tilespmem:s11+$0x6100] =	vst v0  }
0x55: {  	v0 =	vnsel vm1, $0xFFFFFFFF, v5;
	vm0 =	vlt.u32 v3, $0x10;
	v5 =	vld [tilespmem:s12+$0x1200];
	[tilespmem:s11+$0x6000] =	vst v1  }
0x56: {  	s26 =	sor.u32 $0x2180, s20;
	v1 =	vld [tilespmem:s12+$0x1280];
	[tilespmem:s11+$0x6080] =	vst v0;
	v0 =	vnsel vm0, $0xFFFFFFFF, v3;
	vm0 =	vlt.u32 v2, $0x10;
	v2 =	vadd.s32 $0x20, v2  }
0x57: {  	s29 =	sand.u32 $0xFFFFFC00, s22;
	vm1 =	vlt.u32 v7, $0x10;
	v3 =	vadd.s32 $0x10, v7;
	v7 =	vld [tilespmem:s26+$0x0];
	[tilespmem:s15+$0x4000] =	vst v0;
	v0 =	vnsel vm0, $0xFFFFFFFF, v2  }
0x58: {  	s20 =	sadd.s32 $0x30, s29;
	v2 =	vnsel vm1, $0xFFFFFFFF, v3;
	v3 =	vadd.s32 $0x70, v4;
	vm0 =	vlt.u32 v4, $0x10;
	[tilespmem:s15+$0x4100] =	vst v0  }
0x59: {  	s30 =	sor.u32 $0x180, s20;
	vm1 =	vlt.u32 v6, $0x10;
	v0 =	vadd.s32 $0xE0, v6;
	[tilespmem:s15+$0x4080] =	vst v2;
	v2 =	vnsel vm0, $0xFFFFFFFF, v3  }
0x5a: {  	vm0 =	vlt.u32 v5, $0x10;
	v0 =	vnsel vm1, $0xFFFFFFFF, v0;
	v3 =	vld [tilespmem:s30+$0x0];
	[tilespmem:s23+$0x4000] =	vst v2;
	v2 =	vadd.s32 $0xC0, v5  }
0x5b: {  	vm1 =	vlt.u32 v1, $0x10;
	v1 =	vadd.s32 $0xD0, v1;
	v4 =	vld [tilespmem:s13+$0x1100];
	v2 =	vnsel vm0, $0xFFFFFFFF, v2;
	[tilespmem:s12+$0x5300] =	vst v0  }
0x5c: {  	v0 =	vnsel vm1, $0xFFFFFFFF, v1;
	vm0 =	vlt.u32 v7, $0x10;
	v1 =	vld [tilespmem:s13+$0x1000];
	[tilespmem:s12+$0x5200] =	vst v2;
	v2 =	vadd.s32 $0x130, v7  }
0x5d: {  	s31 =	sor.u32 $0x1380, s14;
	v5 =	vld [tilespmem:s13+$0x1080];
	[tilespmem:s12+$0x5280] =	vst v0;
	v0 =	vnsel vm0, $0xFFFFFFFF, v2  }
0x5e: {  	v2 =	vld [tilespmem:s31+$0x0];
	[tilespmem:s26+$0x4000] =	vst v0  }
0x5f: {  	vm0 =	vlt.u32 v3, $0x10;
	v0 =	vadd.s32 $0x30, v3;
	v3 =	vld [tilespmem:s11+$0x2300]  }
0x60: {  	v6 =	vld [tilespmem:s11+$0x2200];
	v0 =	vnsel vm0, $0xFFFFFFFF, v0;
	vm0 =	vlt.u32 v4, $0x10;
	v4 =	vadd.s32 $0xA0, v4  }
0x61: {  	v7 =	vld [tilespmem:s11+$0x2280];
	vm1 =	vlt.u32 v1, $0x10;
	[tilespmem:s30+$0x4000] =	vst v0;
	v0 =	vadd.s32 $0x80, v1;
	v1 =	vnsel vm0, $0xFFFFFFFF, v4  }
0x62: {  	vm0 =	vlt.u32 v5, $0x10;
	v5 =	vadd.s32 $0x90, v5;
	v8 =	vld [tilespmem:s15+$0x200];
	v0 =	vnsel vm1, $0xFFFFFFFF, v0;
	[tilespmem:s13+$0x5100] =	vst v1  }
0x63: {  	v4 =	vld [tilespmem:s15+$0x280];
	v1 =	vadd.s32 $0xF0, v2;
	[tilespmem:s13+$0x5000] =	vst v0;
	v0 =	vnsel vm0, $0xFFFFFFFF, v5;
	vm0 =	vlt.u32 v2, $0x10  }
0x64: {  	s26 =	sor.u32 $0x1180, s17;
	v5 =	vld [tilespmem:s15+$0x300];
	[tilespmem:s13+$0x5080] =	vst v0;
	v0 =	vnsel vm0, $0xFFFFFFFF, v1;
	vm0 =	vlt.u32 v3, $0x10;
	v1 =	vadd.s32 $0x160, v3  }
0x65: {  	vm1 =	vlt.u32 v6, $0x10;
	v3 =	vld [tilespmem:s26+$0x0];
	[tilespmem:s31+$0x4000] =	vst v0;
	v0 =	vadd.s32 $0x140, v6;
	v2 =	vnsel vm0, $0xFFFFFFFF, v1  }
0x66: {  	v1 =	vld [tilespmem:s12+$0x2100];
	v0 =	vnsel vm1, $0xFFFFFFFF, v0;
	vm1 =	vlt.u32 v7, $0x10;
	v7 =	vadd.s32 $0x150, v7;
	[tilespmem:s11+$0x6300] =	vst v2  }
0x67: {  	s28 =	simm.s32 $0x40;
	s19 =	sor.u32 $0x2380, s19;
	s23 =	simm.s32 $0x200;
	v2 =	vld [tilespmem:s12+$0x2000];
	vm0 =	vlt.u32 v8, $0x10;
	v6 =	vadd.s32 $0x40, v8;
	[tilespmem:s11+$0x6200] =	vst v0;
	v0 =	vnsel vm1, $0xFFFFFFFF, v7  }
.LBB2_2:
0x68: {  	s25 =	sand.u32 $0x70, s28  }
0x69: {  	s29 =	sand.u32 $0xC00, s23;
	v6 =	vnsel vm0, $0xFFFFFFFF, v6;
	v7 =	vadd.s32 $0x50, v4;
	v8 =	vld [tilespmem:s12+$0x2080];
	[tilespmem:s11+$0x6280] =	vst v0;
	s30 =	smov.u32 s28;
	s24 =	sadd.s32 $0x10, s28  }
0x6a: {  	p0 =	sne.s32 s28, $0x1F0;
	vm0 =	vlt.u32 v4, $0x10;
	s25 =	sor.u32 s25, s29;
	vm1 =	vlt.u32 v5, $0x10;
	v0 =	vadd.s32 $0x60, v5;
	v4 =	vld [tilespmem:s19+$0x0]  }
0x6b: {  	v5 =	vld [tilespmem:s25+$0x0];
	[tilespmem:s15+$0x4200] =	vst v6;
	v6 =	vnsel vm0, $0xFFFFFFFF, v7;
	v0 =	vnsel vm1, $0xFFFFFFFF, v0;
	vm0 =	vlt.u32 v3, $0x10  }
0x6c: {  	s29 =	sor.u32 s21, s22;
	s21 =	smov.u32 s30;
	s22 =	smov.u32 s23;
	v7 =	vld [tilespmem:s25+$0x80];
	[tilespmem:s15+$0x4300] =	vst v0;
	v0 =	vadd.s32 $0xB0, v3;
	vm1 =	vlt.u32 v1, $0x10;
	v1 =	vadd.s32 $0x120, v1  }
0x6d: {  	s30 =	sor.u32 $0x380, s29;
	v3 =	vld [tilespmem:s25+$0x100];
	[tilespmem:s15+$0x4280] =	vst v6;
	v0 =	vnsel vm0, $0xFFFFFFFF, v0;
	vm0 =	vlt.u32 v2, $0x10;
	v1 =	vnsel vm1, $0xFFFFFFFF, v1  }
0x6e: {  	v6 =	vld [tilespmem:s30+$0x0];
	[tilespmem:s26+$0x4000] =	vst v0;
	v0 =	vadd.s32 $0x100, v2;
	vm1 =	vlt.u32 v8, $0x10;
	v2 =	vadd.s32 $0x110, v8  }
0x6f: {  	s28 =	sor.u32 $0x1380, s18;
	v8 =	vld [tilespmem:s13+$0x1300];
	v0 =	vnsel vm0, $0xFFFFFFFF, v0;
	v2 =	vnsel vm1, $0xFFFFFFFF, v2;
	[tilespmem:s12+$0x6100] =	vst v1;
	vm0 =	vlt.u32 v4, $0x10  }
0x70: {  	vm1 =	vlt.u32 v5, $0x10;
	v1 =	vld [tilespmem:s13+$0x1200];
	[tilespmem:s12+$0x6000] =	vst v0;
	v0 =	vadd.s32 $0x170, v4  }
0x71: {  	s26 =	sor.u32 $0x2180, s16;
	s16 =	smov.u32 s17;
	s17 =	smov.u32 s20;
	vm2 =	vlt.u32 v7, $0x10;
	v4 =	vadd.s32 $0x10, v7;
	v7 =	vld [tilespmem:s13+$0x1280];
	[tilespmem:s12+$0x6080] =	vst v2;
	v0 =	vnsel vm0, $0xFFFFFFFF, v0  }
0x72: {  	v2 =	vnsel vm1, $0xFFFFFFFF, v5;
	vm0 =	vlt.u32 v3, $0x10;
	v3 =	vadd.s32 $0x20, v3;
	v5 =	vld [tilespmem:s26+$0x0];
	[tilespmem:s19+$0x4000] =	vst v0  }
0x73: {  	s19 =	sand.u32 $0xFFFFFC00, s23;
	v0 =	vnsel vm2, $0xFFFFFFFF, v4;
	[tilespmem:s25+$0x4000] =	vst v2;
	v2 =	vnsel vm0, $0xFFFFFFFF, v3;
	v3 =	vadd.s32 $0x70, v6;
	v4 =	vld [tilespmem:s11+$0x3000]  }
0x74: {  	s20 =	sadd.s32 s19, s21;
	vm0 =	vlt.u32 v6, $0x10;
	s19 =	sor.u32 $0x2380, s14;
	s14 =	smov.u32 s18;
	[tilespmem:s25+$0x4100] =	vst v2;
	vm1 =	vlt.u32 v8, $0x10;
	v2 =	vadd.s32 $0xE0, v8;
	v6 =	vld [tilespmem:s11+$0x3080]  }
0x75: {  	s18 =	smov.u32 s29;
	s31 =	sor.u32 $0x180, s20;
	[tilespmem:s25+$0x4080] =	vst v0;
	v0 =	vnsel vm0, $0xFFFFFFFF, v3;
	vm0 =	vlt.u32 v1, $0x10;
	v2 =	vnsel vm1, $0xFFFFFFFF, v2  }
0x76: {  	v3 =	vld [tilespmem:s31+$0x0];
	[tilespmem:s30+$0x4000] =	vst v0;
	v0 =	vadd.s32 $0xC0, v1;
	vm1 =	vlt.u32 v7, $0x10;
	v1 =	vadd.s32 $0xD0, v7  }
0x77: {  	v7 =	vld [tilespmem:s15+$0x1100];
	v0 =	vnsel vm0, $0xFFFFFFFF, v0;
	v1 =	vnsel vm1, $0xFFFFFFFF, v1;
	[tilespmem:s13+$0x5300] =	vst v2;
	vm0 =	vlt.u32 v5, $0x10  }
0x78: {  	v2 =	vld [tilespmem:s15+$0x1000];
	[tilespmem:s13+$0x5200] =	vst v0;
	v0 =	vadd.s32 $0x130, v5;
	vm1 =	vlt.u32 v4, $0x10;
	v4 =	vadd.s32 $0x180, v4  }
0x79: {  	v5 =	vld [tilespmem:s15+$0x1080];
	[tilespmem:s13+$0x5280] =	vst v1;
	v0 =	vnsel vm0, $0xFFFFFFFF, v0;
	v1 =	vnsel vm1, $0xFFFFFFFF, v4;
	vm0 =	vlt.u32 v6, $0x10  }
0x7a: {  	v8 =	vld [tilespmem:s28+$0x0];
	[tilespmem:s26+$0x4000] =	vst v0;
	v0 =	vadd.s32 $0x190, v6  }
0x7b: {  	vm1 =	vlt.u32 v3, $0x10;
	v3 =	vadd.s32 $0x30, v3;
	v6 =	vld [tilespmem:s12+$0x2300];
	[tilespmem:s11+$0x7000] =	vst v1;
	v0 =	vnsel vm0, $0xFFFFFFFF, v0  }
0x7c: {  	v1 =	vnsel vm1, $0xFFFFFFFF, v3;
	vm0 =	vlt.u32 v7, $0x10;
	v3 =	vadd.s32 $0xA0, v7;
	v7 =	vld [tilespmem:s12+$0x2200];
	[tilespmem:s11+$0x7080] =	vst v0;
	s11 =	smov.u32 s12;
	s12 =	smov.u32 s13;
	s13 =	smov.u32 s15  }
0x7d: {  	s15 =	smov.u32 s25;
	[tilespmem:s31+$0x4000] =	vst v1;
	vm1 =	vlt.u32 v2, $0x10;
	v0 =	vadd.s32 $0x80, v2;
	v1 =	vnsel vm0, $0xFFFFFFFF, v3;
	v2 =	vld [tilespmem:s11+$0x2280]  }
0x7e: {  	v9 =	vld [tilespmem:s15+$0x200];
	v0 =	vnsel vm1, $0xFFFFFFFF, v0;
	vm0 =	vlt.u32 v5, $0x10;
	v3 =	vadd.s32 $0x90, v5;
	[tilespmem:s13+$0x5100] =	vst v1  }
.Ltmp0:
0x7f: {  	v4 =	vld [tilespmem:s15+$0x280];
	[tilespmem:s13+$0x5000] =	vst v0;
	v0 =	vnsel vm0, $0xFFFFFFFF, v3;
	vm0 =	vlt.u32 v8, $0x10;
	v1 =	vadd.s32 $0xF0, v8;
	(pc) =	sbr.rel @p0 .LBB2_2-.Ltmp0, $4  }
0x80: {  	s26 =	sor.u32 $0x1180, s17;
	v5 =	vld [tilespmem:s15+$0x300];
	[tilespmem:s13+$0x5080] =	vst v0;
	v0 =	vnsel vm0, $0xFFFFFFFF, v1;
	vm0 =	vlt.u32 v6, $0x10;
	v1 =	vadd.s32 $0x160, v6  }
0x81: {  	v3 =	vld [tilespmem:s26+$0x0];
	[tilespmem:s28+$0x4000] =	vst v0;
	vm1 =	vlt.u32 v7, $0x10;
	v0 =	vadd.s32 $0x140, v7;
	v6 =	vnsel vm0, $0xFFFFFFFF, v1  }
0x82: {  	v1 =	vld [tilespmem:s12+$0x2100];
	v0 =	vnsel vm1, $0xFFFFFFFF, v0;
	vm1 =	vlt.u32 v2, $0x10;
	v7 =	vadd.s32 $0x150, v2;
	[tilespmem:s11+$0x6300] =	vst v6  }
0x83: {  	s23 =	sadd.s32 $0x80, s23;
	s28 =	smov.u32 s24;
	vm0 =	vlt.u32 v9, $0x10;
	v6 =	vadd.s32 $0x40, v9;
	v2 =	vld [tilespmem:s12+$0x2000];
	[tilespmem:s11+$0x6200] =	vst v0;
	v0 =	vnsel vm1, $0xFFFFFFFF, v7  }
0x84: {  	v6 =	vnsel vm0, $0xFFFFFFFF, v6;
	v7 =	vadd.s32 $0x50, v4;
	vm1 =	vlt.u32 v4, $0x10  }
0x85: {  	vm4 =	vlt.u32 v5, $0x10;
	v41 =	vadd.s32 $0x60, v5;
	[tilespmem:s15+$0x4200] =	vst v6;
	v43 =	vnsel vm1, $0xFFFFFFFF, v7  }
0x86: {  	s21 =	sor.u32 s21, s22;
	v42 =	vnsel vm4, $0xFFFFFFFF, v41;
	[tilespmem:s15+$0x4280] =	vst v43  }
0x87: {  	s22 =	sor.u32 $0x380, s21;
	[tilespmem:s15+$0x4300] =	vst v42  }
0x88: {  	v4 =	vld [tilespmem:s22+$0x0];
	_ =	sdelay $0x4  }
0x89: {  	v44 =	vadd.s32 $0x70, v4;
	vm5 =	vlt.u32 v4, $0x10  }
0x8a: {  	v4 =	vnsel vm5, $0xFFFFFFFF, v44  }
0x8b: {  	[tilespmem:s22+$0x4000] =	vst v4  }
0x8c: {  	v4 =	vld [tilespmem:s15+$0x1100]  }
0x8d: {  	v45 =	vld [tilespmem:s15+$0x1000]  }
0x8e: {  	v46 =	vld [tilespmem:s15+$0x1080];
	_ =	sdelay $0x2  }
0x8f: {  	vm6 =	vlt.u32 v4, $0x10;
	v4 =	vadd.s32 $0xA0, v4  }
0x90: {  	vm7 =	vlt.u32 v45, $0x10;
	v5 =	vadd.s32 $0x80, v45;
	v4 =	vnsel vm6, $0xFFFFFFFF, v4  }
0x91: {  	vm8 =	vlt.u32 v46, $0x10;
	v6 =	vadd.s32 $0x90, v46;
	v5 =	vnsel vm7, $0xFFFFFFFF, v5;
	[tilespmem:s15+$0x5100] =	vst v4  }
0x92: {  	v47 =	vnsel vm8, $0xFFFFFFFF, v6;
	[tilespmem:s15+$0x5000] =	vst v5  }
0x93: {  	s25 =	sor.u32 $0x1180, s20;
	[tilespmem:s15+$0x5080] =	vst v47  }
0x94: {  	v4 =	vld [tilespmem:s25+$0x0];
	_ =	sdelay $0x1  }
0x95: {  	vm9 =	vlt.u32 v3, $0x10;
	v48 =	vadd.s32 $0xB0, v3  }
0x96: {  	v3 =	vnsel vm9, $0xFFFFFFFF, v48  }
0x97: {  	[tilespmem:s26+$0x4000] =	vst v3  }
0x98: {  	v3 =	vld [tilespmem:s13+$0x1300];
	vm10 =	vlt.u32 v4, $0x10;
	v4 =	vadd.s32 $0xB0, v4  }
0x99: {  	v50 =	vld [tilespmem:s13+$0x1280];
	v4 =	vnsel vm10, $0xFFFFFFFF, v4  }
0x9a: {  	v49 =	vld [tilespmem:s13+$0x1200];
	[tilespmem:s25+$0x4000] =	vst v4  }
0x9b: {  	v4 =	vld [tilespmem:s15+$0x1300]  }
0x9c: {  	v51 =	vld [tilespmem:s15+$0x1200]  }
0x9d: {  	vm11 =	vlt.u32 v3, $0x10;
	v3 =	vadd.s32 $0xE0, v3;
	v8 =	vld [tilespmem:s15+$0x1280]  }
0x9e: {  	vm13 =	vlt.u32 v50, $0x10;
	v3 =	vnsel vm11, $0xFFFFFFFF, v3;
	v6 =	vadd.s32 $0xD0, v50  }
0x9f: {  	vm12 =	vlt.u32 v49, $0x10;
	[tilespmem:s13+$0x5300] =	vst v3;
	v5 =	vadd.s32 $0xC0, v49;
	v52 =	vnsel vm13, $0xFFFFFFFF, v6  }
0xa0: {  	v5 =	vnsel vm12, $0xFFFFFFFF, v5;
	[tilespmem:s13+$0x5280] =	vst v52;
	vm14 =	vlt.u32 v4, $0x10;
	v4 =	vadd.s32 $0xE0, v4  }
0xa1: {  	s28 =	sor.u32 $0x1380, s18;
	[tilespmem:s13+$0x5200] =	vst v5;
	vm15 =	vlt.u32 v51, $0x10;
	v54 =	vadd.s32 $0xC0, v51;
	v53 =	vnsel vm14, $0xFFFFFFFF, v4  }
0xa2: {  	v5 =	vld [tilespmem:s28+$0x0];
	vm4 =	vlt.u32 v8, $0x10;
	v55 =	vadd.s32 $0xD0, v8;
	v4 =	vnsel vm15, $0xFFFFFFFF, v54;
	[tilespmem:s15+$0x5300] =	vst v53  }
0xa3: {  	v56 =	vnsel vm4, $0xFFFFFFFF, v55;
	[tilespmem:s15+$0x5200] =	vst v4  }
0xa4: {  	s23 =	sor.u32 $0x1380, s21;
	[tilespmem:s15+$0x5280] =	vst v56  }
0xa5: {  	v3 =	vld [tilespmem:s23+$0x0];
	_ =	sdelay $0x1  }
0xa6: {  	vm5 =	vlt.u32 v5, $0x10;
	v57 =	vadd.s32 $0xF0, v5  }
0xa7: {  	v4 =	vnsel vm5, $0xFFFFFFFF, v57  }
0xa8: {  	v58 =	vld [tilespmem:s12+$0x2080];
	[tilespmem:s28+$0x4000] =	vst v4  }
0xa9: {  	v4 =	vld [tilespmem:s13+$0x2100];
	vm6 =	vlt.u32 v3, $0x10;
	v3 =	vadd.s32 $0xF0, v3  }
0xaa: {  	v59 =	vld [tilespmem:s13+$0x2000];
	v3 =	vnsel vm6, $0xFFFFFFFF, v3  }
0xab: {  	v60 =	vadd.s32 $0x120, v1;
	vm7 =	vlt.u32 v1, $0x10;
	v61 =	vld [tilespmem:s13+$0x2080];
	[tilespmem:s23+$0x4000] =	vst v3  }
0xac: {  	v62 =	vadd.s32 $0x100, v2;
	vm8 =	vlt.u32 v2, $0x10;
	v1 =	vnsel vm7, $0xFFFFFFFF, v60;
	v3 =	vld [tilespmem:s15+$0x2100]  }
0xad: {  	vm9 =	vlt.u32 v58, $0x10;
	v2 =	vnsel vm8, $0xFFFFFFFF, v62;
	[tilespmem:s12+$0x6100] =	vst v1;
	v5 =	vadd.s32 $0x110, v58;
	v63 =	vld [tilespmem:s15+$0x2000]  }
0xae: {  	[tilespmem:s12+$0x6000] =	vst v2;
	v5 =	vnsel vm9, $0xFFFFFFFF, v5;
	vm10 =	vlt.u32 v4, $0x10;
	v8 =	vadd.s32 $0x120, v4;
	v9 =	vld [tilespmem:s15+$0x2080]  }
0xaf: {  	s16 =	sor.u32 $0x2180, s16;
	[tilespmem:s12+$0x6080] =	vst v5;
	vm11 =	vlt.u32 v59, $0x10;
	v10 =	vadd.s32 $0x100, v59;
	v2 =	vnsel vm10, $0xFFFFFFFF, v8  }
0xb0: {  	v11 =	vld [tilespmem:s16+$0x0];
	vm12 =	vlt.u32 v61, $0x10;
	v7 =	vadd.s32 $0x110, v61;
	v5 =	vnsel vm11, $0xFFFFFFFF, v10;
	[tilespmem:s13+$0x6100] =	vst v2  }
0xb1: {  	v12 =	vnsel vm12, $0xFFFFFFFF, v7;
	[tilespmem:s13+$0x6000] =	vst v5;
	vm13 =	vlt.u32 v3, $0x10;
	v3 =	vadd.s32 $0x120, v3  }
0xb2: {  	s17 =	sor.u32 $0x2180, s17;
	[tilespmem:s13+$0x6080] =	vst v12;
	vm14 =	vlt.u32 v63, $0x10;
	v1 =	vadd.s32 $0x100, v63;
	v13 =	vnsel vm13, $0xFFFFFFFF, v3  }
0xb3: {  	v14 =	vld [tilespmem:s17+$0x0];
	vm15 =	vlt.u32 v9, $0x10;
	v4 =	vadd.s32 $0x110, v9;
	v1 =	vnsel vm14, $0xFFFFFFFF, v1;
	[tilespmem:s15+$0x6100] =	vst v13  }
0xb4: {  	v15 =	vnsel vm15, $0xFFFFFFFF, v4;
	[tilespmem:s15+$0x6000] =	vst v1  }
0xb5: {  	s29 =	sor.u32 $0x2180, s20;
	vm4 =	vlt.u32 v11, $0x10;
	v16 =	vadd.s32 $0x130, v11;
	[tilespmem:s15+$0x6080] =	vst v15  }
0xb6: {  	v1 =	vnsel vm4, $0xFFFFFFFF, v16;
	v2 =	vld [tilespmem:s29+$0x0]  }
0xb7: {  	[tilespmem:s16+$0x4000] =	vst v1  }
0xb8: {  	vm5 =	vlt.u32 v14, $0x10;
	v3 =	vadd.s32 $0x130, v14;
	v1 =	vld [tilespmem:s12+$0x2300]  }
0xb9: {  	v3 =	vnsel vm5, $0xFFFFFFFF, v3;
	v17 =	vld [tilespmem:s12+$0x2200]  }
0xba: {  	[tilespmem:s17+$0x4000] =	vst v3;
	v18 =	vld [tilespmem:s12+$0x2280]  }
0xbb: {  	v3 =	vld [tilespmem:s13+$0x2300];
	vm6 =	vlt.u32 v2, $0x10;
	v2 =	vadd.s32 $0x130, v2  }
0xbc: {  	v20 =	vld [tilespmem:s13+$0x2280];
	v2 =	vnsel vm6, $0xFFFFFFFF, v2  }
0xbd: {  	v19 =	vld [tilespmem:s13+$0x2200];
	vm7 =	vlt.u32 v1, $0x10;
	v1 =	vadd.s32 $0x160, v1;
	[tilespmem:s29+$0x4000] =	vst v2  }
0xbe: {  	[tilespmem:s11+$0x6280] =	vst v0;
	vm8 =	vlt.u32 v17, $0x10;
	v21 =	vadd.s32 $0x140, v17;
	v1 =	vnsel vm7, $0xFFFFFFFF, v1;
	v2 =	vld [tilespmem:s15+$0x2300]  }
0xbf: {  	vm9 =	vlt.u32 v18, $0x10;
	v22 =	vadd.s32 $0x150, v18;
	v0 =	vnsel vm8, $0xFFFFFFFF, v21;
	[tilespmem:s12+$0x6300] =	vst v1;
	v23 =	vld [tilespmem:s15+$0x2200]  }
0xc0: {  	vm10 =	vlt.u32 v3, $0x10;
	v3 =	vadd.s32 $0x160, v3;
	v24 =	vnsel vm9, $0xFFFFFFFF, v22;
	[tilespmem:s12+$0x6200] =	vst v0;
	v25 =	vld [tilespmem:s15+$0x2280]  }
0xc1: {  	vm12 =	vlt.u32 v20, $0x10;
	v28 =	vadd.s32 $0x150, v20;
	v3 =	vnsel vm10, $0xFFFFFFFF, v3;
	[tilespmem:s12+$0x6280] =	vst v24  }
0xc2: {  	v27 =	vld [tilespmem:s19+$0x0];
	vm11 =	vlt.u32 v19, $0x10;
	v26 =	vadd.s32 $0x140, v19;
	v29 =	vnsel vm12, $0xFFFFFFFF, v28;
	[tilespmem:s13+$0x6300] =	vst v3  }
0xc3: {  	s14 =	sor.u32 $0x2380, s14;
	v0 =	vnsel vm11, $0xFFFFFFFF, v26;
	[tilespmem:s13+$0x6280] =	vst v29;
	vm13 =	vlt.u32 v2, $0x10;
	v2 =	vadd.s32 $0x160, v2  }
0xc4: {  	[tilespmem:s13+$0x6200] =	vst v0;
	v30 =	vld [tilespmem:s14+$0x0];
	vm14 =	vlt.u32 v23, $0x10;
	v31 =	vadd.s32 $0x140, v23;
	v32 =	vnsel vm13, $0xFFFFFFFF, v2  }
0xc5: {  	s30 =	sor.u32 $0x2380, s18;
	vm15 =	vlt.u32 v25, $0x10;
	v33 =	vadd.s32 $0x150, v25;
	v0 =	vnsel vm14, $0xFFFFFFFF, v31;
	[tilespmem:s15+$0x6300] =	vst v32  }
0xc6: {  	v34 =	vld [tilespmem:s30+$0x0];
	v35 =	vnsel vm15, $0xFFFFFFFF, v33;
	[tilespmem:s15+$0x6200] =	vst v0  }
0xc7: {  	s31 =	sor.u32 $0x2380, s21;
	v36 =	vadd.s32 $0x170, v27;
	vm4 =	vlt.u32 v27, $0x10;
	[tilespmem:s15+$0x6280] =	vst v35  }
0xc8: {  	v37 =	vnsel vm4, $0xFFFFFFFF, v36;
	v38 =	vld [tilespmem:s31+$0x0]  }
0xc9: {  	[tilespmem:s19+$0x4000] =	vst v37;
	vm5 =	vlt.u32 v30, $0x10;
	v39 =	vadd.s32 $0x170, v30  }
0xca: {  	v41 =	vld [tilespmem:s11+$0x3080];
	v0 =	vnsel vm5, $0xFFFFFFFF, v39  }
0xcb: {  	v40 =	vld [tilespmem:s11+$0x3000];
	vm6 =	vlt.u32 v34, $0x10;
	v42 =	vadd.s32 $0x170, v34;
	[tilespmem:s14+$0x4000] =	vst v0  }
0xcc: {  	v0 =	vnsel vm6, $0xFFFFFFFF, v42;
	v43 =	vld [tilespmem:s12+$0x3000]  }
0xcd: {  	v44 =	vld [tilespmem:s12+$0x3080];
	[tilespmem:s30+$0x4000] =	vst v0;
	vm7 =	vlt.u32 v38, $0x10;
	v45 =	vadd.s32 $0x170, v38  }
0xce: {  	v46 =	vld [tilespmem:s13+$0x3000];
	v0 =	vnsel vm7, $0xFFFFFFFF, v45  }
0xcf: {  	vm9 =	vlt.u32 v41, $0x10;
	v49 =	vadd.s32 $0x190, v41;
	v47 =	vld [tilespmem:s13+$0x3080];
	[tilespmem:s31+$0x4000] =	vst v0  }
0xd0: {  	vm8 =	vlt.u32 v40, $0x10;
	v3 =	vadd.s32 $0x180, v40;
	v51 =	vnsel vm9, $0xFFFFFFFF, v49;
	v50 =	vld [tilespmem:s15+$0x3000]  }
0xd1: {  	v48 =	vnsel vm8, $0xFFFFFFFF, v3;
	[tilespmem:s11+$0x7080] =	vst v51;
	vm10 =	vlt.u32 v43, $0x10;
	v1 =	vadd.s32 $0x180, v43;
	v52 =	vld [tilespmem:s15+$0x3080]  }
0xd2: {  	[tilespmem:s11+$0x7000] =	vst v48;
	vm11 =	vlt.u32 v44, $0x10;
	v54 =	vadd.s32 $0x190, v44;
	v53 =	vnsel vm10, $0xFFFFFFFF, v1  }
0xd3: {  	v55 =	vnsel vm11, $0xFFFFFFFF, v54;
	vm12 =	vlt.u32 v46, $0x10;
	v56 =	vadd.s32 $0x180, v46;
	[tilespmem:s12+$0x7000] =	vst v53  }
0xd4: {  	vm13 =	vlt.u32 v47, $0x10;
	v58 =	vadd.s32 $0x190, v47;
	[tilespmem:s12+$0x7080] =	vst v55;
	v57 =	vnsel vm12, $0xFFFFFFFF, v56  }
0xd5: {  	v59 =	vnsel vm13, $0xFFFFFFFF, v58;
	[tilespmem:s13+$0x7000] =	vst v57;
	vm14 =	vlt.u32 v50, $0x10;
	v60 =	vadd.s32 $0x180, v50  }
0xd6: {  	s10 =	sadd.s32 $0x1, s10;
	[tilespmem:s13+$0x7080] =	vst v59;
	vm15 =	vlt.u32 v52, $0x10;
	v62 =	vadd.s32 $0x190, v52;
	v61 =	vnsel vm14, $0xFFFFFFFF, v60  }
0xd7: {  	p0 =	sne.s32 s10, s5;
	v63 =	vnsel vm15, $0xFFFFFFFF, v62;
	[tilespmem:s15+$0x7000] =	vst v61  }
.Ltmp1:
0xd8: {  	[tilespmem:s15+$0x7080] =	vst v63;
	(pc) =	sbr.rel @p0 .LBB2_1-.Ltmp1, $4  }
0xd9: {  	[hbm4b:s4+s6] =	stream.strided.scatter [tilespmem:s9], [sflag:$0x1], $0x4000, s7, s6, $0x38;
	[tilespmem:$0x8000] =	vst v63  }
0xda: {  	_ =	swait.ge [sflag:s8], $0x4000  }
0xdb: {  	[sflag:s8] =	ssyncset.done $0x0  }
0xdc: {  	[sflag:s8] =	ssyncadd.s32 $0xFFFFC000  }
0xdd: {  	_ =	sfence.sel $0x180000  }
0xde: {  	[bflag:$0x0] =	sbarrier.arrive $0xFFFF  }
0xdf: {  	p0 =	sne.s32 s1, $0x0;
	_ =	strace $0x90000047  }
0xe0: {  	s0 =	sadd.s32 @!p0 $0x100000, s0;
	[bflag:$0x2] =	sbarrier.arrive $0xFFFF  }
0xe1: {  	[sflag:s0] =	ssyncadd.tile.s32 @!p0 $0x1;
	_ =	shalt  }
.Lfunc_end2:
_tile_overlayer_lowered:
.L_overlay_start_2:
0xe2: {  	(tag) =	ssettag $0x2  }
0xe3: {  	s0 =	rddreg [dreg:$0x0];
	s2 =	stileid.u32  }
0xe4: {  	s1 =	rddreg [dreg:$0x1];
	p0 =	sne.s32 s2, $0x0  }
0xe5: {  	s3 =	rddreg [dreg:$0x2];
	[bflag:$0x3] =	sbarrier.arrive $0xFFFF;
	s2 =	simm.s32 @!p0 $0x1C01  }
0xe6: {  	[timem:s3], [sflag:s2] =	dma.local @!p0 [hbm:s0], s1  }
0xe7: {  	s0 =	simm.s32 @!p0 $0x1  }
0xe8: {  	_ =	swait.ge @!p0 [sflag:s0], s1  }
0xe9: {  	s1 =	ssub.s32 @!p0 $0x0, s1;
	[sflag:s0] =	ssyncset.done @!p0 $0x0  }
0xea: {  	[sflag:s0] =	ssyncadd.s32 @!p0 s1  }
0xeb: {  	[bflag:$0x3] =	sbarrier.arrive $0xFFFF  }
0xec: {  	_ =	shalt  }

</sc_bundles>
